<compile_context>
chip_gen: v7x
topology: tpu7x:2x2x1
jax: 0.10.2.dev20260603
libtpu: 0.0.44.dev20260713+nightly
codegen_flags: <defaults>
</compile_context>

<pallas_src>
import functools

import jax
import jax.numpy as jnp
from jax import lax
from jax.experimental import pallas as pl
from jax.experimental.pallas import tpu as pltpu
from jax.experimental.pallas import tpu_sc as plsc

N_NODES = 10000
N_EDGES = 320000
D_IN = 128
H = 64
D_OUT = 4

NC = 2
NS = 16
NW = NC * NS
EPT = N_EDGES // NW
CHUNK = 80
NCH = EPT // CHUNK
RPT = N_NODES // NS


def _sc_agg(with_counts: bool):
  mesh = plsc.VectorSubcoreMesh(core_axis_name="c", subcore_axis_name="s")
  out_type = [jax.ShapeDtypeStruct((NC, N_NODES, H), jnp.float32)]
  if with_counts:
    out_type.append(jax.ShapeDtypeStruct((NW, N_NODES), jnp.float32))

  scratch = [
      pltpu.VMEM((NCH, CHUNK), jnp.int32),
      pltpu.VMEM((NCH, CHUNK), jnp.int32),
      pltpu.VMEM((CHUNK, H), jnp.float32),
      pltpu.VMEM((RPT, H), jnp.float32),
      pltpu.VMEM((N_NODES,), jnp.float32),
      pltpu.VMEM_SHARED((N_NODES, H), jnp.float32),
      pltpu.SemaphoreType.DMA,
  ]

  def body(*refs):
    if with_counts:
      (h_hbm, src_hbm, dst_hbm, agg_out, cnt_out,
       src_v, dst_v, rows_v, bounce_v, cnt_v, agg_sh, sem) = refs
    else:
      (h_hbm, src_hbm, dst_hbm, agg_out,
       src_v, dst_v, rows_v, bounce_v, cnt_v, agg_sh, sem) = refs

    c = lax.axis_index("c")
    s = lax.axis_index("s")
    wid = c * NS + s

    zeros16 = jnp.zeros((16,), jnp.float32)

    def zero_row(i, carry):
      for k in range(H // 16):
        bounce_v[i, pl.ds(k * 16, 16)] = zeros16
      return carry

    lax.fori_loop(0, RPT, zero_row, 0)
    pltpu.sync_copy(bounce_v, agg_sh.at[pl.ds(s * RPT, RPT)])

    if with_counts:
      def zero_cnt(i, carry):
        cnt_v[pl.ds(i * 16, 16)] = zeros16
        return carry
      lax.fori_loop(0, N_NODES // 16, zero_cnt, 0)

    pltpu.sync_copy(src_hbm.at[wid], src_v)
    pltpu.sync_copy(dst_hbm.at[wid], dst_v)
    plsc.subcore_barrier()

    ones16 = jnp.ones((16,), jnp.float32)

    def step(j, carry):
      pltpu.async_copy(h_hbm.at[src_v.at[j]], rows_v, sem).wait()
      pltpu.sync_copy(rows_v, agg_sh.at[dst_v.at[j]], add=True)
      if with_counts:
        for k in range(CHUNK // 16):
          idx = dst_v[j, pl.ds(k * 16, 16)]
          plsc.addupdate_scatter(cnt_v, [idx], ones16)
      return carry

    lax.fori_loop(0, NCH, step, 0)
    plsc.subcore_barrier()

    pltpu.sync_copy(agg_sh.at[pl.ds(s * RPT, RPT)], bounce_v)
    pltpu.sync_copy(bounce_v, agg_out.at[c, pl.ds(s * RPT, RPT)])
    if with_counts:
      pltpu.sync_copy(cnt_v, cnt_out.at[wid])

  return pl.kernel(
      body, out_type=out_type, mesh=mesh, scratch_types=scratch,
      compiler_params=pltpu.CompilerParams(
          use_tc_tiling_on_sc=False, needs_layout_passes=False))


_sc_agg_first = _sc_agg(with_counts=True)
_sc_agg_rest = _sc_agg(with_counts=False)




def _enc_body(x_ref, w_ref, b_ref, wl_ref, z_ref, h_ref):
  z = jnp.dot(x_ref[...], w_ref[...], preferred_element_type=jnp.float32)
  z = jnp.maximum(z + b_ref[...], 0.0)
  z_ref[...] = z
  h_ref[...] = jnp.dot(z, wl_ref[...], preferred_element_type=jnp.float32)


_enc = pl.pallas_call(
    _enc_body,
    out_shape=[
        jax.ShapeDtypeStruct((N_NODES, H), jnp.float32),
        jax.ShapeDtypeStruct((N_NODES, H), jnp.float32),
    ],
)


def _mid_body(agg_ref, cntp_ref, z_ref, wr_ref, bl_ref, g_ref, b_ref,
              wl_ref, u_ref, h_ref):
  cnt = jnp.maximum(jnp.sum(cntp_ref[...], axis=0), 1.0)
  inv = (1.0 / cnt)[:, None]
  t = (agg_ref[0] + agg_ref[1]) * inv + bl_ref[...]
  t = t + jnp.dot(z_ref[...], wr_ref[...], preferred_element_type=jnp.float32)
  mu = jnp.mean(t, axis=0, keepdims=True)
  var = jnp.mean((t - mu) ** 2, axis=0, keepdims=True)
  u = g_ref[...] * (t - mu) * lax.rsqrt(var + 1e-5) + b_ref[...]
  u = jnp.maximum(u, 0.0)
  u_ref[...] = u
  h_ref[...] = jnp.dot(u, wl_ref[...], preferred_element_type=jnp.float32)


_mid = pl.pallas_call(
    _mid_body,
    out_shape=[
        jax.ShapeDtypeStruct((N_NODES, H), jnp.float32),
        jax.ShapeDtypeStruct((N_NODES, H), jnp.float32),
    ],
)


def _fin_body(agg_ref, cntp_ref, z_ref, wr_ref, bl_ref, dw_ref, db_ref,
              out_ref):
  cnt = jnp.maximum(jnp.sum(cntp_ref[...], axis=0), 1.0)
  inv = (1.0 / cnt)[:, None]
  t = (agg_ref[0] + agg_ref[1]) * inv + bl_ref[...]
  t = t + jnp.dot(z_ref[...], wr_ref[...], preferred_element_type=jnp.float32)
  out_ref[...] = (
      jnp.dot(t, dw_ref[...], preferred_element_type=jnp.float32)
      + db_ref[...])


_fin = pl.pallas_call(
    _fin_body,
    out_shape=jax.ShapeDtypeStruct((N_NODES, D_OUT), jnp.float32),
)


def kernel(x, edge_index, enc_W, enc_b, Wl, bl, Wr, gamma, beta, dec_W, dec_b):
  src = edge_index[0].reshape(NW, NCH, CHUNK)
  dst = edge_index[1].reshape(NW, NCH, CHUNK)

  z, h = _enc(x, enc_W, enc_b.reshape(1, H), Wl[0])
  agg, cntp = _sc_agg_first(h, src, dst)
  for n in range(3):
    z, h = _mid(agg, cntp, z, Wr[n], bl[n].reshape(1, H),
                gamma[n].reshape(1, H), beta[n].reshape(1, H), Wl[n + 1])
    (agg,) = _sc_agg_rest(h, src, dst)
  return _fin(agg, cntp, z, Wr[3], bl[3].reshape(1, H), dec_W,
              dec_b.reshape(1, D_OUT))

# --- scband reference (transcript-rebuilt; emitter-appended) ---
"""Pipeline reference for scband-graph-sage-43705587204164 (READ-ONLY COPY).

The authoritative reference and input builder live on the scoring server;
editing this copy changes nothing except your own understanding.
"""

import jax, jax.numpy as jnp
import numpy as np

N = 10000
E = 320000
D_IN = 128
H = 64
D_OUT = 4

def setup_inputs(seed: int = 0) -> dict:
    key = jax.random.key(seed)
    ks = jax.random.split(key, 8)
    inp = {}
    inp["x"] = jax.random.normal(ks[0], (N, D_IN), dtype=jnp.float32)
    inp["edge_index"] = jax.random.randint(ks[1], (2, E), 0, N, dtype=jnp.int32)
    inp["enc_W"] = jax.random.normal(ks[2], (D_IN, H), dtype=jnp.float32) * 0.1
    inp["enc_b"] = jnp.zeros((H,), dtype=jnp.float32)
    inp["Wl"] = jax.random.normal(ks[3], (4, H, H), dtype=jnp.float32) * 0.1
    inp["bl"] = jnp.zeros((4, H), dtype=jnp.float32)
    inp["Wr"] = jax.random.normal(ks[4], (4, H, H), dtype=jnp.float32) * 0.1
    inp["gamma"] = jnp.ones((3, H), dtype=jnp.float32)
    inp["beta"] = jnp.zeros((3, H), dtype=jnp.float32)
    inp["dec_W"] = jax.random.normal(ks[5], (H, D_OUT), dtype=jnp.float32) * 0.1
    inp["dec_b"] = jnp.zeros((D_OUT,), dtype=jnp.float32)
    return inp

def _sage(z, src, dst, Wl_n, bl_n, Wr_n):
    # PyG SAGEConv with mean aggregation: lin_l(mean_agg(x_j)) + lin_r(x_i)
    msgs = jnp.take(z, src, axis=0)
    agg = jax.ops.segment_sum(msgs, dst, num_segments=N)
    cnt = jax.ops.segment_sum(jnp.ones((src.shape[0], 1), z.dtype), dst, num_segments=N)
    mean = agg / jnp.maximum(cnt, 1.0)
    return mean @ Wl_n + bl_n + z @ Wr_n

def _bn(z, g, b):
    # BatchNorm1d with track_running_stats=False: always uses batch statistics
    mu = jnp.mean(z, axis=0)
    var = jnp.var(z, axis=0)
    return g * (z - mu) / jnp.sqrt(var + 1e-5) + b

def reference(x, edge_index, enc_W, enc_b, Wl, bl, Wr, gamma, beta, dec_W, dec_b):
    src, dst = edge_index[0], edge_index[1]
    z = jax.nn.relu(x @ enc_W + enc_b)          # encoder MLP
    z = _sage(z, src, dst, Wl[0], bl[0], Wr[0])  # in_layer
    z = jax.nn.relu(_bn(z, gamma[0], beta[0]))
    for n in range(2):                           # nb_hidden_layers - 1 = 2 hidden SAGE layers
        z = _sage(z, src, dst, Wl[n + 1], bl[n + 1], Wr[n + 1])
        z = jax.nn.relu(_bn(z, gamma[n + 1], beta[n + 1]))
    z = _sage(z, src, dst, Wl[3], bl[3], Wr[3])  # out_layer
    z = z @ dec_W + dec_b                        # decoder
    return z

if __name__ == "__main__":
    import jax
    _d = setup_inputs()
    print(jax.jit(kernel)(*tuple(_d.values())))

</pallas_src>

<mosaic_0001>
#map = affine_map<(d0, d1) -> (0, 0)>
#map1 = affine_map<(d0, d1) -> (0, 0, 0)>
module attributes {stable_mosaic.version = 14 : i64} {
  func.func @body(%arg0: i32, %arg1: i32, %arg2: memref<10000x64xf32, #tpu.memory_space<hbm>>, %arg3: memref<32x125x80xi32, #tpu.memory_space<hbm>>, %arg4: memref<32x125x80xi32, #tpu.memory_space<hbm>>, %arg5: memref<2x10000x64xf32, #tpu.memory_space<hbm>>, %arg6: memref<125x80xi32, #tpu.memory_space<vmem>>, %arg7: memref<125x80xi32, #tpu.memory_space<vmem>>, %arg8: memref<80x64xf32, #tpu.memory_space<vmem>>, %arg9: memref<625x64xf32, #tpu.memory_space<vmem>>, %arg10: memref<10000xf32, #tpu.memory_space<vmem>>, %arg11: memref<10000x64xf32, #tpu.memory_space<vmem_shared>>, %arg12: memref<!tpu.dma_semaphore, #tpu.memory_space<semaphore_mem>>) attributes {dimension_semantics = [#tpu.dimension_semantics<core_parallel>, #tpu.dimension_semantics<subcore_parallel>], iteration_bounds = array<i64: 2, 16>, scalar_prefetch = 0 : i64, scratch_operands = 7 : i64, tpu.core_type = #tpu.core_type<sc_vector_subcore>, window_params = [{transform_indices = #map}, {transform_indices = #map1}, {transform_indices = #map1}, {transform_indices = #map1}]} {
    %mul3A = arith.constant 16 : i32
    %mul3A_0 = arith.muli %arg0, %mul3A : i32
    %add3A = arith.addi %mul3A_0, %arg1 : i32
    %broadcast_in_dim3A = arith.constant 0.000000e+00 : f32
    %broadcast_in_dim3A_1 = vector.broadcast %broadcast_in_dim3A : f32 to vector<16xf32>
    %scan3A = arith.constant 0 : i32
    %scan3A_2 = arith.constant 0 : i32
    %scan3A_3 = arith.constant 625 : i32
    %scan3A_4 = arith.addi %scan3A_2, %scan3A_3 : i32
    %scan3A_5 = arith.constant 1 : i32
    scf.for %scan3A_22 = %scan3A_2 to %scan3A_4 step %scan3A_5  : i32 {
      %swap3A = arith.index_cast %scan3A_22 : i32 to index
      %swap3A_23 = arith.constant 0 : index
      %swap3A_24 = tpu.vector_load %arg9[%swap3A, %swap3A_23] {strides = array<i32>} : memref<625x64xf32, #tpu.memory_space<vmem>>, vector<16xf32>,
      tpu.vector_store %arg9[%swap3A, %swap3A_23], %broadcast_in_dim3A_1 {strides = array<i32>} : memref<625x64xf32, #tpu.memory_space<vmem>>, vector<16xf32>,
      %swap3A_25 = arith.index_cast %scan3A_22 : i32 to index
      %swap3A_26 = arith.constant 16 : index
      %swap3A_27 = tpu.vector_load %arg9[%swap3A_25, %swap3A_26] {strides = array<i32>} : memref<625x64xf32, #tpu.memory_space<vmem>>, vector<16xf32>,
      tpu.vector_store %arg9[%swap3A_25, %swap3A_26], %broadcast_in_dim3A_1 {strides = array<i32>} : memref<625x64xf32, #tpu.memory_space<vmem>>, vector<16xf32>,
      %swap3A_28 = arith.index_cast %scan3A_22 : i32 to index
      %swap3A_29 = arith.constant 32 : index
      %swap3A_30 = tpu.vector_load %arg9[%swap3A_28, %swap3A_29] {strides = array<i32>} : memref<625x64xf32, #tpu.memory_space<vmem>>, vector<16xf32>,
      tpu.vector_store %arg9[%swap3A_28, %swap3A_29], %broadcast_in_dim3A_1 {strides = array<i32>} : memref<625x64xf32, #tpu.memory_space<vmem>>, vector<16xf32>,
      %swap3A_31 = arith.index_cast %scan3A_22 : i32 to index
      %swap3A_32 = arith.constant 48 : index
      %swap3A_33 = tpu.vector_load %arg9[%swap3A_31, %swap3A_32] {strides = array<i32>} : memref<625x64xf32, #tpu.memory_space<vmem>>, vector<16xf32>,
      tpu.vector_store %arg9[%swap3A_31, %swap3A_32], %broadcast_in_dim3A_1 {strides = array<i32>} : memref<625x64xf32, #tpu.memory_space<vmem>>, vector<16xf32>,
    }
    %scan3A_6 = arith.constant 625 : i32
    %mul3A_7 = arith.constant 625 : i32
    %mul3A_8 = arith.muli %arg1, %mul3A_7 : i32
    "tpu.region"() ({
      %run_scoped3A = tpu.sem_alloc : memref<!tpu.dma_semaphore, #tpu.memory_space<semaphore_mem>>
      %dma_start3A = arith.constant 0 : i32
      %dma_start3A_22 = tpu.memref_slice %arg11[%mul3A_8, %dma_start3A] : memref<10000x64xf32, #tpu.memory_space<vmem_shared>> -> memref<625x64xf32, #tpu.memory_space<vmem_shared>>
      %dma_start3A_23 = arith.constant 0 : i32
      %dma_start3A_24 = tpu.memref_slice %arg11[%mul3A_8, %dma_start3A_23] : memref<10000x64xf32, #tpu.memory_space<vmem_shared>> -> memref<625x64xf32, #tpu.memory_space<vmem_shared>>
      tpu.enqueue_dma source(%arg9 : memref<625x64xf32, #tpu.memory_space<vmem>>) target(%dma_start3A_24 : memref<625x64xf32, #tpu.memory_space<vmem_shared>>) target_semaphore(%run_scoped3A : memref<!tpu.dma_semaphore, #tpu.memory_space<semaphore_mem>>)
      %dma_wait3A = arith.constant 0 : i32
      %dma_wait3A_25 = tpu.memref_slice %arg11[%mul3A_8, %dma_wait3A] : memref<10000x64xf32, #tpu.memory_space<vmem_shared>> -> memref<625x64xf32, #tpu.memory_space<vmem_shared>>
      %dma_wait3A_26 = arith.constant 0 : i32
      %dma_wait3A_27 = tpu.memref_slice %arg11[%mul3A_8, %dma_wait3A_26] : memref<10000x64xf32, #tpu.memory_space<vmem_shared>> -> memref<625x64xf32, #tpu.memory_space<vmem_shared>>
      tpu.wait_dma2 semaphore(%run_scoped3A : memref<!tpu.dma_semaphore, #tpu.memory_space<semaphore_mem>>) src(%arg9 : memref<625x64xf32, #tpu.memory_space<vmem>>) dst(%dma_wait3A_27 : memref<625x64xf32, #tpu.memory_space<vmem_shared>>)
      tpu.yield
    }) : () -> ()
    "tpu.region"() ({
      %run_scoped3A = tpu.sem_alloc : memref<!tpu.dma_semaphore, #tpu.memory_space<semaphore_mem>>
      %dma_start3A = arith.constant 0 : i32
      %dma_start3A_22 = arith.constant 0 : i32
      %dma_start3A_23 = tpu.memref_slice %arg3[%add3A, %dma_start3A, %dma_start3A_22] : memref<32x125x80xi32, #tpu.memory_space<hbm>> -> memref<1x125x80xi32, #tpu.memory_space<hbm>>
      %dma_start3A_24 = tpu.memref_squeeze %dma_start3A_23 : memref<1x125x80xi32, #tpu.memory_space<hbm>> -> memref<125x80xi32, #tpu.memory_space<hbm>>
      %dma_start3A_25 = arith.constant 0 : i32
      %dma_start3A_26 = arith.constant 0 : i32
      %dma_start3A_27 = tpu.memref_slice %arg3[%add3A, %dma_start3A_25, %dma_start3A_26] : memref<32x125x80xi32, #tpu.memory_space<hbm>> -> memref<1x125x80xi32, #tpu.memory_space<hbm>>
      %dma_start3A_28 = tpu.memref_squeeze %dma_start3A_27 : memref<1x125x80xi32, #tpu.memory_space<hbm>> -> memref<125x80xi32, #tpu.memory_space<hbm>>
      tpu.enqueue_dma source(%dma_start3A_28 : memref<125x80xi32, #tpu.memory_space<hbm>>) target(%arg6 : memref<125x80xi32, #tpu.memory_space<vmem>>) target_semaphore(%run_scoped3A : memref<!tpu.dma_semaphore, #tpu.memory_space<semaphore_mem>>)
      %dma_wait3A = arith.constant 0 : i32
      %dma_wait3A_29 = arith.constant 0 : i32
      %dma_wait3A_30 = tpu.memref_slice %arg3[%add3A, %dma_wait3A, %dma_wait3A_29] : memref<32x125x80xi32, #tpu.memory_space<hbm>> -> memref<1x125x80xi32, #tpu.memory_space<hbm>>
      %dma_wait3A_31 = tpu.memref_squeeze %dma_wait3A_30 : memref<1x125x80xi32, #tpu.memory_space<hbm>> -> memref<125x80xi32, #tpu.memory_space<hbm>>
      %dma_wait3A_32 = arith.constant 0 : i32
      %dma_wait3A_33 = arith.constant 0 : i32
      %dma_wait3A_34 = tpu.memref_slice %arg3[%add3A, %dma_wait3A_32, %dma_wait3A_33] : memref<32x125x80xi32, #tpu.memory_space<hbm>> -> memref<1x125x80xi32, #tpu.memory_space<hbm>>
      %dma_wait3A_35 = tpu.memref_squeeze %dma_wait3A_34 : memref<1x125x80xi32, #tpu.memory_space<hbm>> -> memref<125x80xi32, #tpu.memory_space<hbm>>
      tpu.wait_dma2 semaphore(%run_scoped3A : memref<!tpu.dma_semaphore, #tpu.memory_space<semaphore_mem>>) src(%dma_wait3A_35 : memref<125x80xi32, #tpu.memory_space<hbm>>) dst(%arg6 : memref<125x80xi32, #tpu.memory_space<vmem>>)
      tpu.yield
    }) : () -> ()
    "tpu.region"() ({
      %run_scoped3A = tpu.sem_alloc : memref<!tpu.dma_semaphore, #tpu.memory_space<semaphore_mem>>
      %dma_start3A = arith.constant 0 : i32
      %dma_start3A_22 = arith.constant 0 : i32
      %dma_start3A_23 = tpu.memref_slice %arg4[%add3A, %dma_start3A, %dma_start3A_22] : memref<32x125x80xi32, #tpu.memory_space<hbm>> -> memref<1x125x80xi32, #tpu.memory_space<hbm>>
      %dma_start3A_24 = tpu.memref_squeeze %dma_start3A_23 : memref<1x125x80xi32, #tpu.memory_space<hbm>> -> memref<125x80xi32, #tpu.memory_space<hbm>>
      %dma_start3A_25 = arith.constant 0 : i32
      %dma_start3A_26 = arith.constant 0 : i32
      %dma_start3A_27 = tpu.memref_slice %arg4[%add3A, %dma_start3A_25, %dma_start3A_26] : memref<32x125x80xi32, #tpu.memory_space<hbm>> -> memref<1x125x80xi32, #tpu.memory_space<hbm>>
      %dma_start3A_28 = tpu.memref_squeeze %dma_start3A_27 : memref<1x125x80xi32, #tpu.memory_space<hbm>> -> memref<125x80xi32, #tpu.memory_space<hbm>>
      tpu.enqueue_dma source(%dma_start3A_28 : memref<125x80xi32, #tpu.memory_space<hbm>>) target(%arg7 : memref<125x80xi32, #tpu.memory_space<vmem>>) target_semaphore(%run_scoped3A : memref<!tpu.dma_semaphore, #tpu.memory_space<semaphore_mem>>)
      %dma_wait3A = arith.constant 0 : i32
      %dma_wait3A_29 = arith.constant 0 : i32
      %dma_wait3A_30 = tpu.memref_slice %arg4[%add3A, %dma_wait3A, %dma_wait3A_29] : memref<32x125x80xi32, #tpu.memory_space<hbm>> -> memref<1x125x80xi32, #tpu.memory_space<hbm>>
      %dma_wait3A_31 = tpu.memref_squeeze %dma_wait3A_30 : memref<1x125x80xi32, #tpu.memory_space<hbm>> -> memref<125x80xi32, #tpu.memory_space<hbm>>
      %dma_wait3A_32 = arith.constant 0 : i32
      %dma_wait3A_33 = arith.constant 0 : i32
      %dma_wait3A_34 = tpu.memref_slice %arg4[%add3A, %dma_wait3A_32, %dma_wait3A_33] : memref<32x125x80xi32, #tpu.memory_space<hbm>> -> memref<1x125x80xi32, #tpu.memory_space<hbm>>
      %dma_wait3A_35 = tpu.memref_squeeze %dma_wait3A_34 : memref<1x125x80xi32, #tpu.memory_space<hbm>> -> memref<125x80xi32, #tpu.memory_space<hbm>>
      tpu.wait_dma2 semaphore(%run_scoped3A : memref<!tpu.dma_semaphore, #tpu.memory_space<semaphore_mem>>) src(%dma_wait3A_35 : memref<125x80xi32, #tpu.memory_space<hbm>>) dst(%arg7 : memref<125x80xi32, #tpu.memory_space<vmem>>)
      tpu.yield
    }) : () -> ()
    %barrier3A = arith.constant 0 : index
    tpu.barrier barrier_id(%barrier3A)
    %broadcast_in_dim3A_9 = arith.constant 1.000000e+00 : f32
    %broadcast_in_dim3A_10 = vector.broadcast %broadcast_in_dim3A_9 : f32 to vector<16xf32>
    %scan3A_11 = arith.constant 0 : i32
    %scan3A_12 = arith.constant 0 : i32
    %scan3A_13 = arith.constant 125 : i32
    %scan3A_14 = arith.addi %scan3A_12, %scan3A_13 : i32
    %scan3A_15 = arith.constant 1 : i32
    scf.for %scan3A_22 = %scan3A_12 to %scan3A_14 step %scan3A_15  : i32 {
      %dma_start3A = arith.constant 0 : i32
      %dma_start3A_23 = tpu.memref_slice %arg6[%scan3A_22, %dma_start3A] : memref<125x80xi32, #tpu.memory_space<vmem>> -> memref<1x80xi32, #tpu.memory_space<vmem>>
      %dma_start3A_24 = tpu.memref_squeeze %dma_start3A_23 : memref<1x80xi32, #tpu.memory_space<vmem>> -> memref<80xi32, #tpu.memory_space<vmem>>
      %dma_start3A_25 = arith.constant 0 : i32
      %dma_start3A_26 = arith.constant 0 : i32
      %dma_start3A_27 = tpu.memref_slice %arg2[%dma_start3A_25, %dma_start3A_26] : memref<10000x64xf32, #tpu.memory_space<hbm>> -> memref<10000x64xf32, #tpu.memory_space<hbm>>
      tpu.enqueue_indirect_dma source(%dma_start3A_27 : memref<10000x64xf32, #tpu.memory_space<hbm>>) target(%arg8 : memref<80x64xf32, #tpu.memory_space<vmem>>) offsets(%dma_start3A_24 : memref<80xi32, #tpu.memory_space<vmem>>) semaphore(%arg12 : memref<!tpu.dma_semaphore, #tpu.memory_space<semaphore_mem>>)
      %dma_wait3A = arith.constant 0 : i32
      %dma_wait3A_28 = tpu.memref_slice %arg6[%scan3A_22, %dma_wait3A] : memref<125x80xi32, #tpu.memory_space<vmem>> -> memref<1x80xi32, #tpu.memory_space<vmem>>
      %dma_wait3A_29 = tpu.memref_squeeze %dma_wait3A_28 : memref<1x80xi32, #tpu.memory_space<vmem>> -> memref<80xi32, #tpu.memory_space<vmem>>
      %dma_wait3A_30 = arith.constant 0 : i32
      %dma_wait3A_31 = arith.constant 0 : i32
      %dma_wait3A_32 = tpu.memref_slice %arg2[%dma_wait3A_30, %dma_wait3A_31] : memref<10000x64xf32, #tpu.memory_space<hbm>> -> memref<10000x64xf32, #tpu.memory_space<hbm>>
      tpu.wait_indirect_dma semaphore(%arg12 : memref<!tpu.dma_semaphore, #tpu.memory_space<semaphore_mem>>) src(%dma_wait3A_32 : memref<10000x64xf32, #tpu.memory_space<hbm>>) dst(%arg8 : memref<80x64xf32, #tpu.memory_space<vmem>>)
      "tpu.region"() ({
        %run_scoped3A = tpu.sem_alloc : memref<!tpu.dma_semaphore, #tpu.memory_space<semaphore_mem>>
        %dma_start3A_33 = arith.constant 0 : i32
        %dma_start3A_34 = tpu.memref_slice %arg7[%scan3A_22, %dma_start3A_33] : memref<125x80xi32, #tpu.memory_space<vmem>> -> memref<1x80xi32, #tpu.memory_space<vmem>>
        %dma_start3A_35 = tpu.memref_squeeze %dma_start3A_34 : memref<1x80xi32, #tpu.memory_space<vmem>> -> memref<80xi32, #tpu.memory_space<vmem>>
        %dma_start3A_36 = arith.constant 0 : i32
        %dma_start3A_37 = arith.constant 0 : i32
        %dma_start3A_38 = tpu.memref_slice %arg11[%dma_start3A_36, %dma_start3A_37] : memref<10000x64xf32, #tpu.memory_space<vmem_shared>> -> memref<10000x64xf32, #tpu.memory_space<vmem_shared>>
        tpu.enqueue_indirect_dma source(%arg8 : memref<80x64xf32, #tpu.memory_space<vmem>>) target(%dma_start3A_38 : memref<10000x64xf32, #tpu.memory_space<vmem_shared>>) offsets(%dma_start3A_35 : memref<80xi32, #tpu.memory_space<vmem>>) semaphore(%run_scoped3A : memref<!tpu.dma_semaphore, #tpu.memory_space<semaphore_mem>>) {add = true}
        %dma_wait3A_39 = arith.constant 0 : i32
        %dma_wait3A_40 = tpu.memref_slice %arg7[%scan3A_22, %dma_wait3A_39] : memref<125x80xi32, #tpu.memory_space<vmem>> -> memref<1x80xi32, #tpu.memory_space<vmem>>
        %dma_wait3A_41 = tpu.memref_squeeze %dma_wait3A_40 : memref<1x80xi32, #tpu.memory_space<vmem>> -> memref<80xi32, #tpu.memory_space<vmem>>
        %dma_wait3A_42 = arith.constant 0 : i32
        %dma_wait3A_43 = arith.constant 0 : i32
        %dma_wait3A_44 = tpu.memref_slice %arg11[%dma_wait3A_42, %dma_wait3A_43] : memref<10000x64xf32, #tpu.memory_space<vmem_shared>> -> memref<10000x64xf32, #tpu.memory_space<vmem_shared>>
        tpu.wait_indirect_dma semaphore(%run_scoped3A : memref<!tpu.dma_semaphore, #tpu.memory_space<semaphore_mem>>) src(%arg8 : memref<80x64xf32, #tpu.memory_space<vmem>>) dst(%dma_wait3A_44 : memref<10000x64xf32, #tpu.memory_space<vmem_shared>>)
        tpu.yield
      }) : () -> ()
    }
    %scan3A_16 = arith.constant 125 : i32
    %barrier3A_17 = arith.constant 0 : index
    tpu.barrier barrier_id(%barrier3A_17)
    %mul3A_18 = arith.constant 625 : i32
    %mul3A_19 = arith.muli %arg1, %mul3A_18 : i32
    "tpu.region"() ({
      %run_scoped3A = tpu.sem_alloc : memref<!tpu.dma_semaphore, #tpu.memory_space<semaphore_mem>>
      %dma_start3A = arith.constant 0 : i32
      %dma_start3A_22 = tpu.memref_slice %arg11[%mul3A_19, %dma_start3A] : memref<10000x64xf32, #tpu.memory_space<vmem_shared>> -> memref<625x64xf32, #tpu.memory_space<vmem_shared>>
      %dma_start3A_23 = arith.constant 0 : i32
      %dma_start3A_24 = tpu.memref_slice %arg11[%mul3A_19, %dma_start3A_23] : memref<10000x64xf32, #tpu.memory_space<vmem_shared>> -> memref<625x64xf32, #tpu.memory_space<vmem_shared>>
      tpu.enqueue_dma source(%dma_start3A_24 : memref<625x64xf32, #tpu.memory_space<vmem_shared>>) target(%arg9 : memref<625x64xf32, #tpu.memory_space<vmem>>) target_semaphore(%run_scoped3A : memref<!tpu.dma_semaphore, #tpu.memory_space<semaphore_mem>>)
      %dma_wait3A = arith.constant 0 : i32
      %dma_wait3A_25 = tpu.memref_slice %arg11[%mul3A_19, %dma_wait3A] : memref<10000x64xf32, #tpu.memory_space<vmem_shared>> -> memref<625x64xf32, #tpu.memory_space<vmem_shared>>
      %dma_wait3A_26 = arith.constant 0 : i32
      %dma_wait3A_27 = tpu.memref_slice %arg11[%mul3A_19, %dma_wait3A_26] : memref<10000x64xf32, #tpu.memory_space<vmem_shared>> -> memref<625x64xf32, #tpu.memory_space<vmem_shared>>
      tpu.wait_dma2 semaphore(%run_scoped3A : memref<!tpu.dma_semaphore, #tpu.memory_space<semaphore_mem>>) src(%dma_wait3A_27 : memref<625x64xf32, #tpu.memory_space<vmem_shared>>) dst(%arg9 : memref<625x64xf32, #tpu.memory_space<vmem>>)
      tpu.yield
    }) : () -> ()
    %mul3A_20 = arith.constant 625 : i32
    %mul3A_21 = arith.muli %arg1, %mul3A_20 : i32
    "tpu.region"() ({
      %run_scoped3A = tpu.sem_alloc : memref<!tpu.dma_semaphore, #tpu.memory_space<semaphore_mem>>
      %dma_start3A = arith.constant 0 : i32
      %dma_start3A_22 = tpu.memref_slice %arg5[%arg0, %mul3A_21, %dma_start3A] : memref<2x10000x64xf32, #tpu.memory_space<hbm>> -> memref<1x625x64xf32, #tpu.memory_space<hbm>>
      %dma_start3A_23 = tpu.memref_squeeze %dma_start3A_22 : memref<1x625x64xf32, #tpu.memory_space<hbm>> -> memref<625x64xf32, #tpu.memory_space<hbm>>
      %dma_start3A_24 = arith.constant 0 : i32
      %dma_start3A_25 = tpu.memref_slice %arg5[%arg0, %mul3A_21, %dma_start3A_24] : memref<2x10000x64xf32, #tpu.memory_space<hbm>> -> memref<1x625x64xf32, #tpu.memory_space<hbm>>
      %dma_start3A_26 = tpu.memref_squeeze %dma_start3A_25 : memref<1x625x64xf32, #tpu.memory_space<hbm>> -> memref<625x64xf32, #tpu.memory_space<hbm>>
      tpu.enqueue_dma source(%arg9 : memref<625x64xf32, #tpu.memory_space<vmem>>) target(%dma_start3A_26 : memref<625x64xf32, #tpu.memory_space<hbm>>) target_semaphore(%run_scoped3A : memref<!tpu.dma_semaphore, #tpu.memory_space<semaphore_mem>>)
      %dma_wait3A = arith.constant 0 : i32
      %dma_wait3A_27 = tpu.memref_slice %arg5[%arg0, %mul3A_21, %dma_wait3A] : memref<2x10000x64xf32, #tpu.memory_space<hbm>> -> memref<1x625x64xf32, #tpu.memory_space<hbm>>
      %dma_wait3A_28 = tpu.memref_squeeze %dma_wait3A_27 : memref<1x625x64xf32, #tpu.memory_space<hbm>> -> memref<625x64xf32, #tpu.memory_space<hbm>>
      %dma_wait3A_29 = arith.constant 0 : i32
      %dma_wait3A_30 = tpu.memref_slice %arg5[%arg0, %mul3A_21, %dma_wait3A_29] : memref<2x10000x64xf32, #tpu.memory_space<hbm>> -> memref<1x625x64xf32, #tpu.memory_space<hbm>>
      %dma_wait3A_31 = tpu.memref_squeeze %dma_wait3A_30 : memref<1x625x64xf32, #tpu.memory_space<hbm>> -> memref<625x64xf32, #tpu.memory_space<hbm>>
      tpu.wait_dma2 semaphore(%run_scoped3A : memref<!tpu.dma_semaphore, #tpu.memory_space<semaphore_mem>>) src(%arg9 : memref<625x64xf32, #tpu.memory_space<vmem>>) dst(%dma_wait3A_31 : memref<625x64xf32, #tpu.memory_space<hbm>>)
      tpu.yield
    }) : () -> ()
    return
  }
}

#map = affine_map<(d0, d1) -> (0, 0)>
#map1 = affine_map<(d0, d1) -> (0, 0, 0)>
module attributes {stable_mosaic.version = 14 : i64} {
  func.func @body(%arg0: i32, %arg1: i32, %arg2: memref<10000x64xf32, #tpu.memory_space<hbm>>, %arg3: memref<32x125x80xi32, #tpu.memory_space<hbm>>, %arg4: memref<32x125x80xi32, #tpu.memory_space<hbm>>, %arg5: memref<2x10000x64xf32, #tpu.memory_space<hbm>>, %arg6: memref<125x80xi32, #tpu.memory_space<vmem>>, %arg7: memref<125x80xi32, #tpu.memory_space<vmem>>, %arg8: memref<80x64xf32, #tpu.memory_space<vmem>>, %arg9: memref<625x64xf32, #tpu.memory_space<vmem>>, %arg10: memref<10000xf32, #tpu.memory_space<vmem>>, %arg11: memref<10000x64xf32, #tpu.memory_space<vmem_shared>>, %arg12: memref<!tpu.dma_semaphore, #tpu.memory_space<semaphore_mem>>) attributes {dimension_semantics = [#tpu.dimension_semantics<core_parallel>, #tpu.dimension_semantics<subcore_parallel>], iteration_bounds = array<i64: 2, 16>, scalar_prefetch = 0 : i64, scratch_operands = 7 : i64, tpu.core_type = #tpu.core_type<sc_vector_subcore>, window_params = [{transform_indices = #map}, {transform_indices = #map1}, {transform_indices = #map1}, {transform_indices = #map1}]} {
    %mul3A = arith.constant 16 : i32
    %mul3A_0 = arith.muli %arg0, %mul3A : i32
    %add3A = arith.addi %mul3A_0, %arg1 : i32
    %broadcast_in_dim3A = arith.constant 0.000000e+00 : f32
    %broadcast_in_dim3A_1 = vector.broadcast %broadcast_in_dim3A : f32 to vector<16xf32>
    %scan3A = arith.constant 0 : i32
    %scan3A_2 = arith.constant 0 : i32
    %scan3A_3 = arith.constant 625 : i32
    %scan3A_4 = arith.addi %scan3A_2, %scan3A_3 : i32
    %scan3A_5 = arith.constant 1 : i32
    scf.for %scan3A_22 = %scan3A_2 to %scan3A_4 step %scan3A_5  : i32 {
      %swap3A = arith.index_cast %scan3A_22 : i32 to index
      %swap3A_23 = arith.constant 0 : index
      %swap3A_24 = tpu.vector_load %arg9[%swap3A, %swap3A_23] {strides = array<i32>} : memref<625x64xf32, #tpu.memory_space<vmem>>, vector<16xf32>,
      tpu.vector_store %arg9[%swap3A, %swap3A_23], %broadcast_in_dim3A_1 {strides = array<i32>} : memref<625x64xf32, #tpu.memory_space<vmem>>, vector<16xf32>,
      %swap3A_25 = arith.index_cast %scan3A_22 : i32 to index
      %swap3A_26 = arith.constant 16 : index
      %swap3A_27 = tpu.vector_load %arg9[%swap3A_25, %swap3A_26] {strides = array<i32>} : memref<625x64xf32, #tpu.memory_space<vmem>>, vector<16xf32>,
      tpu.vector_store %arg9[%swap3A_25, %swap3A_26], %broadcast_in_dim3A_1 {strides = array<i32>} : memref<625x64xf32, #tpu.memory_space<vmem>>, vector<16xf32>,
      %swap3A_28 = arith.index_cast %scan3A_22 : i32 to index
      %swap3A_29 = arith.constant 32 : index
      %swap3A_30 = tpu.vector_load %arg9[%swap3A_28, %swap3A_29] {strides = array<i32>} : memref<625x64xf32, #tpu.memory_space<vmem>>, vector<16xf32>,
      tpu.vector_store %arg9[%swap3A_28, %swap3A_29], %broadcast_in_dim3A_1 {strides = array<i32>} : memref<625x64xf32, #tpu.memory_space<vmem>>, vector<16xf32>,
      %swap3A_31 = arith.index_cast %scan3A_22 : i32 to index
      %swap3A_32 = arith.constant 48 : index
      %swap3A_33 = tpu.vector_load %arg9[%swap3A_31, %swap3A_32] {strides = array<i32>} : memref<625x64xf32, #tpu.memory_space<vmem>>, vector<16xf32>,
      tpu.vector_store %arg9[%swap3A_31, %swap3A_32], %broadcast_in_dim3A_1 {strides = array<i32>} : memref<625x64xf32, #tpu.memory_space<vmem>>, vector<16xf32>,
    }
    %scan3A_6 = arith.constant 625 : i32
    %mul3A_7 = arith.constant 625 : i32
    %mul3A_8 = arith.muli %arg1, %mul3A_7 : i32
    "tpu.region"() ({
      %run_scoped3A = tpu.sem_alloc : memref<!tpu.dma_semaphore, #tpu.memory_space<semaphore_mem>>
      %dma_start3A = arith.constant 0 : i32
      %dma_start3A_22 = tpu.memref_slice %arg11[%mul3A_8, %dma_start3A] : memref<10000x64xf32, #tpu.memory_space<vmem_shared>> -> memref<625x64xf32, #tpu.memory_space<vmem_shared>>
      %dma_start3A_23 = arith.constant 0 : i32
      %dma_start3A_24 = tpu.memref_slice %arg11[%mul3A_8, %dma_start3A_23] : memref<10000x64xf32, #tpu.memory_space<vmem_shared>> -> memref<625x64xf32, #tpu.memory_space<vmem_shared>>
      tpu.enqueue_dma source(%arg9 : memref<625x64xf32, #tpu.memory_space<vmem>>) target(%dma_start3A_24 : memref<625x64xf32, #tpu.memory_space<vmem_shared>>) target_semaphore(%run_scoped3A : memref<!tpu.dma_semaphore, #tpu.memory_space<semaphore_mem>>)
      %dma_wait3A = arith.constant 0 : i32
      %dma_wait3A_25 = tpu.memref_slice %arg11[%mul3A_8, %dma_wait3A] : memref<10000x64xf32, #tpu.memory_space<vmem_shared>> -> memref<625x64xf32, #tpu.memory_space<vmem_shared>>
      %dma_wait3A_26 = arith.constant 0 : i32
      %dma_wait3A_27 = tpu.memref_slice %arg11[%mul3A_8, %dma_wait3A_26] : memref<10000x64xf32, #tpu.memory_space<vmem_shared>> -> memref<625x64xf32, #tpu.memory_space<vmem_shared>>
      tpu.wait_dma2 semaphore(%run_scoped3A : memref<!tpu.dma_semaphore, #tpu.memory_space<semaphore_mem>>) src(%arg9 : memref<625x64xf32, #tpu.memory_space<vmem>>) dst(%dma_wait3A_27 : memref<625x64xf32, #tpu.memory_space<vmem_shared>>)
      tpu.yield
    }) : () -> ()
    "tpu.region"() ({
      %run_scoped3A = tpu.sem_alloc : memref<!tpu.dma_semaphore, #tpu.memory_space<semaphore_mem>>
      %dma_start3A = arith.constant 0 : i32
      %dma_start3A_22 = arith.constant 0 : i32
      %dma_start3A_23 = tpu.memref_slice %arg3[%add3A, %dma_start3A, %dma_start3A_22] : memref<32x125x80xi32, #tpu.memory_space<hbm>> -> memref<1x125x80xi32, #tpu.memory_space<hbm>>
      %dma_start3A_24 = tpu.memref_squeeze %dma_start3A_23 : memref<1x125x80xi32, #tpu.memory_space<hbm>> -> memref<125x80xi32, #tpu.memory_space<hbm>>
      %dma_start3A_25 = arith.constant 0 : i32
      %dma_start3A_26 = arith.constant 0 : i32
      %dma_start3A_27 = tpu.memref_slice %arg3[%add3A, %dma_start3A_25, %dma_start3A_26] : memref<32x125x80xi32, #tpu.memory_space<hbm>> -> memref<1x125x80xi32, #tpu.memory_space<hbm>>
      %dma_start3A_28 = tpu.memref_squeeze %dma_start3A_27 : memref<1x125x80xi32, #tpu.memory_space<hbm>> -> memref<125x80xi32, #tpu.memory_space<hbm>>
      tpu.enqueue_dma source(%dma_start3A_28 : memref<125x80xi32, #tpu.memory_space<hbm>>) target(%arg6 : memref<125x80xi32, #tpu.memory_space<vmem>>) target_semaphore(%run_scoped3A : memref<!tpu.dma_semaphore, #tpu.memory_space<semaphore_mem>>)
      %dma_wait3A = arith.constant 0 : i32
      %dma_wait3A_29 = arith.constant 0 : i32
      %dma_wait3A_30 = tpu.memref_slice %arg3[%add3A, %dma_wait3A, %dma_wait3A_29] : memref<32x125x80xi32, #tpu.memory_space<hbm>> -> memref<1x125x80xi32, #tpu.memory_space<hbm>>
      %dma_wait3A_31 = tpu.memref_squeeze %dma_wait3A_30 : memref<1x125x80xi32, #tpu.memory_space<hbm>> -> memref<125x80xi32, #tpu.memory_space<hbm>>
      %dma_wait3A_32 = arith.constant 0 : i32
      %dma_wait3A_33 = arith.constant 0 : i32
      %dma_wait3A_34 = tpu.memref_slice %arg3[%add3A, %dma_wait3A_32, %dma_wait3A_33] : memref<32x125x80xi32, #tpu.memory_space<hbm>> -> memref<1x125x80xi32, #tpu.memory_space<hbm>>
      %dma_wait3A_35 = tpu.memref_squeeze %dma_wait3A_34 : memref<1x125x80xi32, #tpu.memory_space<hbm>> -> memref<125x80xi32, #tpu.memory_space<hbm>>
      tpu.wait_dma2 semaphore(%run_scoped3A : memref<!tpu.dma_semaphore, #tpu.memory_space<semaphore_mem>>) src(%dma_wait3A_35 : memref<125x80xi32, #tpu.memory_space<hbm>>) dst(%arg6 : memref<125x80xi32, #tpu.memory_space<vmem>>)
      tpu.yield
    }) : () -> ()
    "tpu.region"() ({
      %run_scoped3A = tpu.sem_alloc : memref<!tpu.dma_semaphore, #tpu.memory_space<semaphore_mem>>
      %dma_start3A = arith.constant 0 : i32
      %dma_start3A_22 = arith.constant 0 : i32
      %dma_start3A_23 = tpu.memref_slice %arg4[%add3A, %dma_start3A, %dma_start3A_22] : memref<32x125x80xi32, #tpu.memory_space<hbm>> -> memref<1x125x80xi32, #tpu.memory_space<hbm>>
      %dma_start3A_24 = tpu.memref_squeeze %dma_start3A_23 : memref<1x125x80xi32, #tpu.memory_space<hbm>> -> memref<125x80xi32, #tpu.memory_space<hbm>>
      %dma_start3A_25 = arith.constant 0 : i32
      %dma_start3A_26 = arith.constant 0 : i32
      %dma_start3A_27 = tpu.memref_slice %arg4[%add3A, %dma_start3A_25, %dma_start3A_26] : memref<32x125x80xi32, #tpu.memory_space<hbm>> -> memref<1x125x80xi32, #tpu.memory_space<hbm>>
      %dma_start3A_28 = tpu.memref_squeeze %dma_start3A_27 : memref<1x125x80xi32, #tpu.memory_space<hbm>> -> memref<125x80xi32, #tpu.memory_space<hbm>>
      tpu.enqueue_dma source(%dma_start3A_28 : memref<125x80xi32, #tpu.memory_space<hbm>>) target(%arg7 : memref<125x80xi32, #tpu.memory_space<vmem>>) target_semaphore(%run_scoped3A : memref<!tpu.dma_semaphore, #tpu.memory_space<semaphore_mem>>)
      %dma_wait3A = arith.constant 0 : i32
      %dma_wait3A_29 = arith.constant 0 : i32
      %dma_wait3A_30 = tpu.memref_slice %arg4[%add3A, %dma_wait3A, %dma_wait3A_29] : memref<32x125x80xi32, #tpu.memory_space<hbm>> -> memref<1x125x80xi32, #tpu.memory_space<hbm>>
      %dma_wait3A_31 = tpu.memref_squeeze %dma_wait3A_30 : memref<1x125x80xi32, #tpu.memory_space<hbm>> -> memref<125x80xi32, #tpu.memory_space<hbm>>
      %dma_wait3A_32 = arith.constant 0 : i32
      %dma_wait3A_33 = arith.constant 0 : i32
      %dma_wait3A_34 = tpu.memref_slice %arg4[%add3A, %dma_wait3A_32, %dma_wait3A_33] : memref<32x125x80xi32, #tpu.memory_space<hbm>> -> memref<1x125x80xi32, #tpu.memory_space<hbm>>
      %dma_wait3A_35 = tpu.memref_squeeze %dma_wait3A_34 : memref<1x125x80xi32, #tpu.memory_space<hbm>> -> memref<125x80xi32, #tpu.memory_space<hbm>>
      tpu.wait_dma2 semaphore(%run_scoped3A : memref<!tpu.dma_semaphore, #tpu.memory_space<semaphore_mem>>) src(%dma_wait3A_35 : memref<125x80xi32, #tpu.memory_space<hbm>>) dst(%arg7 : memref<125x80xi32, #tpu.memory_space<vmem>>)
      tpu.yield
    }) : () -> ()
    %barrier3A = arith.constant 0 : index
    tpu.barrier barrier_id(%barrier3A)
    %broadcast_in_dim3A_9 = arith.constant 1.000000e+00 : f32
    %broadcast_in_dim3A_10 = vector.broadcast %broadcast_in_dim3A_9 : f32 to vector<16xf32>
    %scan3A_11 = arith.constant 0 : i32
    %scan3A_12 = arith.constant 0 : i32
    %scan3A_13 = arith.constant 125 : i32
    %scan3A_14 = arith.addi %scan3A_12, %scan3A_13 : i32
    %scan3A_15 = arith.constant 1 : i32
    scf.for %scan3A_22 = %scan3A_12 to %scan3A_14 step %scan3A_15  : i32 {
      %dma_start3A = arith.constant 0 : i32
      %dma_start3A_23 = tpu.memref_slice %arg6[%scan3A_22, %dma_start3A] : memref<125x80xi32, #tpu.memory_space<vmem>> -> memref<1x80xi32, #tpu.memory_space<vmem>>
      %dma_start3A_24 = tpu.memref_squeeze %dma_start3A_23 : memref<1x80xi32, #tpu.memory_space<vmem>> -> memref<80xi32, #tpu.memory_space<vmem>>
      %dma_start3A_25 = arith.constant 0 : i32
      %dma_start3A_26 = arith.constant 0 : i32
      %dma_start3A_27 = tpu.memref_slice %arg2[%dma_start3A_25, %dma_start3A_26] : memref<10000x64xf32, #tpu.memory_space<hbm>> -> memref<10000x64xf32, #tpu.memory_space<hbm>>
      tpu.enqueue_indirect_dma source(%dma_start3A_27 : memref<10000x64xf32, #tpu.memory_space<hbm>>) target(%arg8 : memref<80x64xf32, #tpu.memory_space<vmem>>) offsets(%dma_start3A_24 : memref<80xi32, #tpu.memory_space<vmem>>) semaphore(%arg12 : memref<!tpu.dma_semaphore, #tpu.memory_space<semaphore_mem>>)
      %dma_wait3A = arith.constant 0 : i32
      %dma_wait3A_28 = tpu.memref_slice %arg6[%scan3A_22, %dma_wait3A] : memref<125x80xi32, #tpu.memory_space<vmem>> -> memref<1x80xi32, #tpu.memory_space<vmem>>
      %dma_wait3A_29 = tpu.memref_squeeze %dma_wait3A_28 : memref<1x80xi32, #tpu.memory_space<vmem>> -> memref<80xi32, #tpu.memory_space<vmem>>
      %dma_wait3A_30 = arith.constant 0 : i32
      %dma_wait3A_31 = arith.constant 0 : i32
      %dma_wait3A_32 = tpu.memref_slice %arg2[%dma_wait3A_30, %dma_wait3A_31] : memref<10000x64xf32, #tpu.memory_space<hbm>> -> memref<10000x64xf32, #tpu.memory_space<hbm>>
      tpu.wait_indirect_dma semaphore(%arg12 : memref<!tpu.dma_semaphore, #tpu.memory_space<semaphore_mem>>) src(%dma_wait3A_32 : memref<10000x64xf32, #tpu.memory_space<hbm>>) dst(%arg8 : memref<80x64xf32, #tpu.memory_space<vmem>>)
      "tpu.region"() ({
        %run_scoped3A = tpu.sem_alloc : memref<!tpu.dma_semaphore, #tpu.memory_space<semaphore_mem>>
        %dma_start3A_33 = arith.constant 0 : i32
        %dma_start3A_34 = tpu.memref_slice %arg7[%scan3A_22, %dma_start3A_33] : memref<125x80xi32, #tpu.memory_space<vmem>> -> memref<1x80xi32, #tpu.memory_space<vmem>>
        %dma_start3A_35 = tpu.memref_squeeze %dma_start3A_34 : memref<1x80xi32, #tpu.memory_space<vmem>> -> memref<80xi32, #tpu.memory_space<vmem>>
        %dma_start3A_36 = arith.constant 0 : i32
        %dma_start3A_37 = arith.constant 0 : i32
        %dma_start3A_38 = tpu.memref_slice %arg11[%dma_start3A_36, %dma_start3A_37] : memref<10000x64xf32, #tpu.memory_space<vmem_shared>> -> memref<10000x64xf32, #tpu.memory_space<vmem_shared>>
        tpu.enqueue_indirect_dma source(%arg8 : memref<80x64xf32, #tpu.memory_space<vmem>>) target(%dma_start3A_38 : memref<10000x64xf32, #tpu.memory_space<vmem_shared>>) offsets(%dma_start3A_35 : memref<80xi32, #tpu.memory_space<vmem>>) semaphore(%run_scoped3A : memref<!tpu.dma_semaphore, #tpu.memory_space<semaphore_mem>>) {add = true}
        %dma_wait3A_39 = arith.constant 0 : i32
        %dma_wait3A_40 = tpu.memref_slice %arg7[%scan3A_22, %dma_wait3A_39] : memref<125x80xi32, #tpu.memory_space<vmem>> -> memref<1x80xi32, #tpu.memory_space<vmem>>
        %dma_wait3A_41 = tpu.memref_squeeze %dma_wait3A_40 : memref<1x80xi32, #tpu.memory_space<vmem>> -> memref<80xi32, #tpu.memory_space<vmem>>
        %dma_wait3A_42 = arith.constant 0 : i32
        %dma_wait3A_43 = arith.constant 0 : i32
        %dma_wait3A_44 = tpu.memref_slice %arg11[%dma_wait3A_42, %dma_wait3A_43] : memref<10000x64xf32, #tpu.memory_space<vmem_shared>> -> memref<10000x64xf32, #tpu.memory_space<vmem_shared>>
        tpu.wait_indirect_dma semaphore(%run_scoped3A : memref<!tpu.dma_semaphore, #tpu.memory_space<semaphore_mem>>) src(%arg8 : memref<80x64xf32, #tpu.memory_space<vmem>>) dst(%dma_wait3A_44 : memref<10000x64xf32, #tpu.memory_space<vmem_shared>>)
        tpu.yield
      }) : () -> ()
    }
    %scan3A_16 = arith.constant 125 : i32
    %barrier3A_17 = arith.constant 0 : index
    tpu.barrier barrier_id(%barrier3A_17)
    %mul3A_18 = arith.constant 625 : i32
    %mul3A_19 = arith.muli %arg1, %mul3A_18 : i32
    "tpu.region"() ({
      %run_scoped3A = tpu.sem_alloc : memref<!tpu.dma_semaphore, #tpu.memory_space<semaphore_mem>>
      %dma_start3A = arith.constant 0 : i32
      %dma_start3A_22 = tpu.memref_slice %arg11[%mul3A_19, %dma_start3A] : memref<10000x64xf32, #tpu.memory_space<vmem_shared>> -> memref<625x64xf32, #tpu.memory_space<vmem_shared>>
      %dma_start3A_23 = arith.constant 0 : i32
      %dma_start3A_24 = tpu.memref_slice %arg11[%mul3A_19, %dma_start3A_23] : memref<10000x64xf32, #tpu.memory_space<vmem_shared>> -> memref<625x64xf32, #tpu.memory_space<vmem_shared>>
      tpu.enqueue_dma source(%dma_start3A_24 : memref<625x64xf32, #tpu.memory_space<vmem_shared>>) target(%arg9 : memref<625x64xf32, #tpu.memory_space<vmem>>) target_semaphore(%run_scoped3A : memref<!tpu.dma_semaphore, #tpu.memory_space<semaphore_mem>>)
      %dma_wait3A = arith.constant 0 : i32
      %dma_wait3A_25 = tpu.memref_slice %arg11[%mul3A_19, %dma_wait3A] : memref<10000x64xf32, #tpu.memory_space<vmem_shared>> -> memref<625x64xf32, #tpu.memory_space<vmem_shared>>
      %dma_wait3A_26 = arith.constant 0 : i32
      %dma_wait3A_27 = tpu.memref_slice %arg11[%mul3A_19, %dma_wait3A_26] : memref<10000x64xf32, #tpu.memory_space<vmem_shared>> -> memref<625x64xf32, #tpu.memory_space<vmem_shared>>
      tpu.wait_dma2 semaphore(%run_scoped3A : memref<!tpu.dma_semaphore, #tpu.memory_space<semaphore_mem>>) src(%dma_wait3A_27 : memref<625x64xf32, #tpu.memory_space<vmem_shared>>) dst(%arg9 : memref<625x64xf32, #tpu.memory_space<vmem>>)
      tpu.yield
    }) : () -> ()
    %mul3A_20 = arith.constant 625 : i32
    %mul3A_21 = arith.muli %arg1, %mul3A_20 : i32
    "tpu.region"() ({
      %run_scoped3A = tpu.sem_alloc : memref<!tpu.dma_semaphore, #tpu.memory_space<semaphore_mem>>
      %dma_start3A = arith.constant 0 : i32
      %dma_start3A_22 = tpu.memref_slice %arg5[%arg0, %mul3A_21, %dma_start3A] : memref<2x10000x64xf32, #tpu.memory_space<hbm>> -> memref<1x625x64xf32, #tpu.memory_space<hbm>>
      %dma_start3A_23 = tpu.memref_squeeze %dma_start3A_22 : memref<1x625x64xf32, #tpu.memory_space<hbm>> -> memref<625x64xf32, #tpu.memory_space<hbm>>
      %dma_start3A_24 = arith.constant 0 : i32
      %dma_start3A_25 = tpu.memref_slice %arg5[%arg0, %mul3A_21, %dma_start3A_24] : memref<2x10000x64xf32, #tpu.memory_space<hbm>> -> memref<1x625x64xf32, #tpu.memory_space<hbm>>
      %dma_start3A_26 = tpu.memref_squeeze %dma_start3A_25 : memref<1x625x64xf32, #tpu.memory_space<hbm>> -> memref<625x64xf32, #tpu.memory_space<hbm>>
      tpu.enqueue_dma source(%arg9 : memref<625x64xf32, #tpu.memory_space<vmem>>) target(%dma_start3A_26 : memref<625x64xf32, #tpu.memory_space<hbm>>) target_semaphore(%run_scoped3A : memref<!tpu.dma_semaphore, #tpu.memory_space<semaphore_mem>>)
      %dma_wait3A = arith.constant 0 : i32
      %dma_wait3A_27 = tpu.memref_slice %arg5[%arg0, %mul3A_21, %dma_wait3A] : memref<2x10000x64xf32, #tpu.memory_space<hbm>> -> memref<1x625x64xf32, #tpu.memory_space<hbm>>
      %dma_wait3A_28 = tpu.memref_squeeze %dma_wait3A_27 : memref<1x625x64xf32, #tpu.memory_space<hbm>> -> memref<625x64xf32, #tpu.memory_space<hbm>>
      %dma_wait3A_29 = arith.constant 0 : i32
      %dma_wait3A_30 = tpu.memref_slice %arg5[%arg0, %mul3A_21, %dma_wait3A_29] : memref<2x10000x64xf32, #tpu.memory_space<hbm>> -> memref<1x625x64xf32, #tpu.memory_space<hbm>>
      %dma_wait3A_31 = tpu.memref_squeeze %dma_wait3A_30 : memref<1x625x64xf32, #tpu.memory_space<hbm>> -> memref<625x64xf32, #tpu.memory_space<hbm>>
      tpu.wait_dma2 semaphore(%run_scoped3A : memref<!tpu.dma_semaphore, #tpu.memory_space<semaphore_mem>>) src(%arg9 : memref<625x64xf32, #tpu.memory_space<vmem>>) dst(%dma_wait3A_31 : memref<625x64xf32, #tpu.memory_space<hbm>>)
      tpu.yield
    }) : () -> ()
    return
  }
}

#map = affine_map<(d0, d1) -> (0, 0)>
#map1 = affine_map<(d0, d1) -> (0, 0, 0)>
module attributes {stable_mosaic.version = 14 : i64} {
  func.func @body(%arg0: i32, %arg1: i32, %arg2: memref<10000x64xf32, #tpu.memory_space<hbm>>, %arg3: memref<32x125x80xi32, #tpu.memory_space<hbm>>, %arg4: memref<32x125x80xi32, #tpu.memory_space<hbm>>, %arg5: memref<2x10000x64xf32, #tpu.memory_space<hbm>>, %arg6: memref<32x10000xf32, #tpu.memory_space<hbm>>, %arg7: memref<125x80xi32, #tpu.memory_space<vmem>>, %arg8: memref<125x80xi32, #tpu.memory_space<vmem>>, %arg9: memref<80x64xf32, #tpu.memory_space<vmem>>, %arg10: memref<625x64xf32, #tpu.memory_space<vmem>>, %arg11: memref<10000xf32, #tpu.memory_space<vmem>>, %arg12: memref<10000x64xf32, #tpu.memory_space<vmem_shared>>, %arg13: memref<!tpu.dma_semaphore, #tpu.memory_space<semaphore_mem>>) attributes {dimension_semantics = [#tpu.dimension_semantics<core_parallel>, #tpu.dimension_semantics<subcore_parallel>], iteration_bounds = array<i64: 2, 16>, scalar_prefetch = 0 : i64, scratch_operands = 7 : i64, tpu.core_type = #tpu.core_type<sc_vector_subcore>, window_params = [{transform_indices = #map}, {transform_indices = #map1}, {transform_indices = #map1}, {transform_indices = #map1}, {transform_indices = #map}]} {
    %mul3A = arith.constant 16 : i32
    %mul3A_0 = arith.muli %arg0, %mul3A : i32
    %add3A = arith.addi %mul3A_0, %arg1 : i32
    %broadcast_in_dim3A = arith.constant 0.000000e+00 : f32
    %broadcast_in_dim3A_1 = vector.broadcast %broadcast_in_dim3A : f32 to vector<16xf32>
    %scan3A = arith.constant 0 : i32
    %scan3A_2 = arith.constant 0 : i32
    %scan3A_3 = arith.constant 625 : i32
    %scan3A_4 = arith.addi %scan3A_2, %scan3A_3 : i32
    %scan3A_5 = arith.constant 1 : i32
    scf.for %scan3A_28 = %scan3A_2 to %scan3A_4 step %scan3A_5  : i32 {
      %swap3A = arith.index_cast %scan3A_28 : i32 to index
      %swap3A_29 = arith.constant 0 : index
      %swap3A_30 = tpu.vector_load %arg10[%swap3A, %swap3A_29] {strides = array<i32>} : memref<625x64xf32, #tpu.memory_space<vmem>>, vector<16xf32>,
      tpu.vector_store %arg10[%swap3A, %swap3A_29], %broadcast_in_dim3A_1 {strides = array<i32>} : memref<625x64xf32, #tpu.memory_space<vmem>>, vector<16xf32>,
      %swap3A_31 = arith.index_cast %scan3A_28 : i32 to index
      %swap3A_32 = arith.constant 16 : index
      %swap3A_33 = tpu.vector_load %arg10[%swap3A_31, %swap3A_32] {strides = array<i32>} : memref<625x64xf32, #tpu.memory_space<vmem>>, vector<16xf32>,
      tpu.vector_store %arg10[%swap3A_31, %swap3A_32], %broadcast_in_dim3A_1 {strides = array<i32>} : memref<625x64xf32, #tpu.memory_space<vmem>>, vector<16xf32>,
      %swap3A_34 = arith.index_cast %scan3A_28 : i32 to index
      %swap3A_35 = arith.constant 32 : index
      %swap3A_36 = tpu.vector_load %arg10[%swap3A_34, %swap3A_35] {strides = array<i32>} : memref<625x64xf32, #tpu.memory_space<vmem>>, vector<16xf32>,
      tpu.vector_store %arg10[%swap3A_34, %swap3A_35], %broadcast_in_dim3A_1 {strides = array<i32>} : memref<625x64xf32, #tpu.memory_space<vmem>>, vector<16xf32>,
      %swap3A_37 = arith.index_cast %scan3A_28 : i32 to index
      %swap3A_38 = arith.constant 48 : index
      %swap3A_39 = tpu.vector_load %arg10[%swap3A_37, %swap3A_38] {strides = array<i32>} : memref<625x64xf32, #tpu.memory_space<vmem>>, vector<16xf32>,
      tpu.vector_store %arg10[%swap3A_37, %swap3A_38], %broadcast_in_dim3A_1 {strides = array<i32>} : memref<625x64xf32, #tpu.memory_space<vmem>>, vector<16xf32>,
    }
    %scan3A_6 = arith.constant 625 : i32
    %mul3A_7 = arith.constant 625 : i32
    %mul3A_8 = arith.muli %arg1, %mul3A_7 : i32
    "tpu.region"() ({
      %run_scoped3A = tpu.sem_alloc : memref<!tpu.dma_semaphore, #tpu.memory_space<semaphore_mem>>
      %dma_start3A = arith.constant 0 : i32
      %dma_start3A_28 = tpu.memref_slice %arg12[%mul3A_8, %dma_start3A] : memref<10000x64xf32, #tpu.memory_space<vmem_shared>> -> memref<625x64xf32, #tpu.memory_space<vmem_shared>>
      %dma_start3A_29 = arith.constant 0 : i32
      %dma_start3A_30 = tpu.memref_slice %arg12[%mul3A_8, %dma_start3A_29] : memref<10000x64xf32, #tpu.memory_space<vmem_shared>> -> memref<625x64xf32, #tpu.memory_space<vmem_shared>>
      tpu.enqueue_dma source(%arg10 : memref<625x64xf32, #tpu.memory_space<vmem>>) target(%dma_start3A_30 : memref<625x64xf32, #tpu.memory_space<vmem_shared>>) target_semaphore(%run_scoped3A : memref<!tpu.dma_semaphore, #tpu.memory_space<semaphore_mem>>)
      %dma_wait3A = arith.constant 0 : i32
      %dma_wait3A_31 = tpu.memref_slice %arg12[%mul3A_8, %dma_wait3A] : memref<10000x64xf32, #tpu.memory_space<vmem_shared>> -> memref<625x64xf32, #tpu.memory_space<vmem_shared>>
      %dma_wait3A_32 = arith.constant 0 : i32
      %dma_wait3A_33 = tpu.memref_slice %arg12[%mul3A_8, %dma_wait3A_32] : memref<10000x64xf32, #tpu.memory_space<vmem_shared>> -> memref<625x64xf32, #tpu.memory_space<vmem_shared>>
      tpu.wait_dma2 semaphore(%run_scoped3A : memref<!tpu.dma_semaphore, #tpu.memory_space<semaphore_mem>>) src(%arg10 : memref<625x64xf32, #tpu.memory_space<vmem>>) dst(%dma_wait3A_33 : memref<625x64xf32, #tpu.memory_space<vmem_shared>>)
      tpu.yield
    }) : () -> ()
    %scan3A_9 = arith.constant 0 : i32
    %scan3A_10 = arith.constant 0 : i32
    %scan3A_11 = arith.constant 625 : i32
    %scan3A_12 = arith.addi %scan3A_10, %scan3A_11 : i32
    %scan3A_13 = arith.constant 1 : i32
    scf.for %scan3A_28 = %scan3A_10 to %scan3A_12 step %scan3A_13  : i32 {
      %mul3A_29 = arith.constant 16 : i32
      %mul3A_30 = arith.muli %scan3A_28, %mul3A_29 : i32
      %swap3A = arith.index_cast %mul3A_30 : i32 to index
      %swap3A_31 = tpu.vector_load %arg11[%swap3A] {strides = array<i32>} : memref<10000xf32, #tpu.memory_space<vmem>>, vector<16xf32>,
      tpu.vector_store %arg11[%swap3A], %broadcast_in_dim3A_1 {strides = array<i32>} : memref<10000xf32, #tpu.memory_space<vmem>>, vector<16xf32>,
    }
    %scan3A_14 = arith.constant 625 : i32
    "tpu.region"() ({
      %run_scoped3A = tpu.sem_alloc : memref<!tpu.dma_semaphore, #tpu.memory_space<semaphore_mem>>
      %dma_start3A = arith.constant 0 : i32
      %dma_start3A_28 = arith.constant 0 : i32
      %dma_start3A_29 = tpu.memref_slice %arg3[%add3A, %dma_start3A, %dma_start3A_28] : memref<32x125x80xi32, #tpu.memory_space<hbm>> -> memref<1x125x80xi32, #tpu.memory_space<hbm>>
      %dma_start3A_30 = tpu.memref_squeeze %dma_start3A_29 : memref<1x125x80xi32, #tpu.memory_space<hbm>> -> memref<125x80xi32, #tpu.memory_space<hbm>>
      %dma_start3A_31 = arith.constant 0 : i32
      %dma_start3A_32 = arith.constant 0 : i32
      %dma_start3A_33 = tpu.memref_slice %arg3[%add3A, %dma_start3A_31, %dma_start3A_32] : memref<32x125x80xi32, #tpu.memory_space<hbm>> -> memref<1x125x80xi32, #tpu.memory_space<hbm>>
      %dma_start3A_34 = tpu.memref_squeeze %dma_start3A_33 : memref<1x125x80xi32, #tpu.memory_space<hbm>> -> memref<125x80xi32, #tpu.memory_space<hbm>>
      tpu.enqueue_dma source(%dma_start3A_34 : memref<125x80xi32, #tpu.memory_space<hbm>>) target(%arg7 : memref<125x80xi32, #tpu.memory_space<vmem>>) target_semaphore(%run_scoped3A : memref<!tpu.dma_semaphore, #tpu.memory_space<semaphore_mem>>)
      %dma_wait3A = arith.constant 0 : i32
      %dma_wait3A_35 = arith.constant 0 : i32
      %dma_wait3A_36 = tpu.memref_slice %arg3[%add3A, %dma_wait3A, %dma_wait3A_35] : memref<32x125x80xi32, #tpu.memory_space<hbm>> -> memref<1x125x80xi32, #tpu.memory_space<hbm>>
      %dma_wait3A_37 = tpu.memref_squeeze %dma_wait3A_36 : memref<1x125x80xi32, #tpu.memory_space<hbm>> -> memref<125x80xi32, #tpu.memory_space<hbm>>
      %dma_wait3A_38 = arith.constant 0 : i32
      %dma_wait3A_39 = arith.constant 0 : i32
      %dma_wait3A_40 = tpu.memref_slice %arg3[%add3A, %dma_wait3A_38, %dma_wait3A_39] : memref<32x125x80xi32, #tpu.memory_space<hbm>> -> memref<1x125x80xi32, #tpu.memory_space<hbm>>
      %dma_wait3A_41 = tpu.memref_squeeze %dma_wait3A_40 : memref<1x125x80xi32, #tpu.memory_space<hbm>> -> memref<125x80xi32, #tpu.memory_space<hbm>>
      tpu.wait_dma2 semaphore(%run_scoped3A : memref<!tpu.dma_semaphore, #tpu.memory_space<semaphore_mem>>) src(%dma_wait3A_41 : memref<125x80xi32, #tpu.memory_space<hbm>>) dst(%arg7 : memref<125x80xi32, #tpu.memory_space<vmem>>)
      tpu.yield
    }) : () -> ()
    "tpu.region"() ({
      %run_scoped3A = tpu.sem_alloc : memref<!tpu.dma_semaphore, #tpu.memory_space<semaphore_mem>>
      %dma_start3A = arith.constant 0 : i32
      %dma_start3A_28 = arith.constant 0 : i32
      %dma_start3A_29 = tpu.memref_slice %arg4[%add3A, %dma_start3A, %dma_start3A_28] : memref<32x125x80xi32, #tpu.memory_space<hbm>> -> memref<1x125x80xi32, #tpu.memory_space<hbm>>
      %dma_start3A_30 = tpu.memref_squeeze %dma_start3A_29 : memref<1x125x80xi32, #tpu.memory_space<hbm>> -> memref<125x80xi32, #tpu.memory_space<hbm>>
      %dma_start3A_31 = arith.constant 0 : i32
      %dma_start3A_32 = arith.constant 0 : i32
      %dma_start3A_33 = tpu.memref_slice %arg4[%add3A, %dma_start3A_31, %dma_start3A_32] : memref<32x125x80xi32, #tpu.memory_space<hbm>> -> memref<1x125x80xi32, #tpu.memory_space<hbm>>
      %dma_start3A_34 = tpu.memref_squeeze %dma_start3A_33 : memref<1x125x80xi32, #tpu.memory_space<hbm>> -> memref<125x80xi32, #tpu.memory_space<hbm>>
      tpu.enqueue_dma source(%dma_start3A_34 : memref<125x80xi32, #tpu.memory_space<hbm>>) target(%arg8 : memref<125x80xi32, #tpu.memory_space<vmem>>) target_semaphore(%run_scoped3A : memref<!tpu.dma_semaphore, #tpu.memory_space<semaphore_mem>>)
      %dma_wait3A = arith.constant 0 : i32
      %dma_wait3A_35 = arith.constant 0 : i32
      %dma_wait3A_36 = tpu.memref_slice %arg4[%add3A, %dma_wait3A, %dma_wait3A_35] : memref<32x125x80xi32, #tpu.memory_space<hbm>> -> memref<1x125x80xi32, #tpu.memory_space<hbm>>
      %dma_wait3A_37 = tpu.memref_squeeze %dma_wait3A_36 : memref<1x125x80xi32, #tpu.memory_space<hbm>> -> memref<125x80xi32, #tpu.memory_space<hbm>>
      %dma_wait3A_38 = arith.constant 0 : i32
      %dma_wait3A_39 = arith.constant 0 : i32
      %dma_wait3A_40 = tpu.memref_slice %arg4[%add3A, %dma_wait3A_38, %dma_wait3A_39] : memref<32x125x80xi32, #tpu.memory_space<hbm>> -> memref<1x125x80xi32, #tpu.memory_space<hbm>>
      %dma_wait3A_41 = tpu.memref_squeeze %dma_wait3A_40 : memref<1x125x80xi32, #tpu.memory_space<hbm>> -> memref<125x80xi32, #tpu.memory_space<hbm>>
      tpu.wait_dma2 semaphore(%run_scoped3A : memref<!tpu.dma_semaphore, #tpu.memory_space<semaphore_mem>>) src(%dma_wait3A_41 : memref<125x80xi32, #tpu.memory_space<hbm>>) dst(%arg8 : memref<125x80xi32, #tpu.memory_space<vmem>>)
      tpu.yield
    }) : () -> ()
    %barrier3A = arith.constant 0 : index
    tpu.barrier barrier_id(%barrier3A)
    %broadcast_in_dim3A_15 = arith.constant 1.000000e+00 : f32
    %broadcast_in_dim3A_16 = vector.broadcast %broadcast_in_dim3A_15 : f32 to vector<16xf32>
    %scan3A_17 = arith.constant 0 : i32
    %scan3A_18 = arith.constant 0 : i32
    %scan3A_19 = arith.constant 125 : i32
    %scan3A_20 = arith.addi %scan3A_18, %scan3A_19 : i32
    %scan3A_21 = arith.constant 1 : i32
    scf.for %scan3A_28 = %scan3A_18 to %scan3A_20 step %scan3A_21  : i32 {
      %dma_start3A = arith.constant 0 : i32
      %dma_start3A_29 = tpu.memref_slice %arg7[%scan3A_28, %dma_start3A] : memref<125x80xi32, #tpu.memory_space<vmem>> -> memref<1x80xi32, #tpu.memory_space<vmem>>
      %dma_start3A_30 = tpu.memref_squeeze %dma_start3A_29 : memref<1x80xi32, #tpu.memory_space<vmem>> -> memref<80xi32, #tpu.memory_space<vmem>>
      %dma_start3A_31 = arith.constant 0 : i32
      %dma_start3A_32 = arith.constant 0 : i32
      %dma_start3A_33 = tpu.memref_slice %arg2[%dma_start3A_31, %dma_start3A_32] : memref<10000x64xf32, #tpu.memory_space<hbm>> -> memref<10000x64xf32, #tpu.memory_space<hbm>>
      tpu.enqueue_indirect_dma source(%dma_start3A_33 : memref<10000x64xf32, #tpu.memory_space<hbm>>) target(%arg9 : memref<80x64xf32, #tpu.memory_space<vmem>>) offsets(%dma_start3A_30 : memref<80xi32, #tpu.memory_space<vmem>>) semaphore(%arg13 : memref<!tpu.dma_semaphore, #tpu.memory_space<semaphore_mem>>)
      %dma_wait3A = arith.constant 0 : i32
      %dma_wait3A_34 = tpu.memref_slice %arg7[%scan3A_28, %dma_wait3A] : memref<125x80xi32, #tpu.memory_space<vmem>> -> memref<1x80xi32, #tpu.memory_space<vmem>>
      %dma_wait3A_35 = tpu.memref_squeeze %dma_wait3A_34 : memref<1x80xi32, #tpu.memory_space<vmem>> -> memref<80xi32, #tpu.memory_space<vmem>>
      %dma_wait3A_36 = arith.constant 0 : i32
      %dma_wait3A_37 = arith.constant 0 : i32
      %dma_wait3A_38 = tpu.memref_slice %arg2[%dma_wait3A_36, %dma_wait3A_37] : memref<10000x64xf32, #tpu.memory_space<hbm>> -> memref<10000x64xf32, #tpu.memory_space<hbm>>
      tpu.wait_indirect_dma semaphore(%arg13 : memref<!tpu.dma_semaphore, #tpu.memory_space<semaphore_mem>>) src(%dma_wait3A_38 : memref<10000x64xf32, #tpu.memory_space<hbm>>) dst(%arg9 : memref<80x64xf32, #tpu.memory_space<vmem>>)
      "tpu.region"() ({
        %run_scoped3A = tpu.sem_alloc : memref<!tpu.dma_semaphore, #tpu.memory_space<semaphore_mem>>
        %dma_start3A_53 = arith.constant 0 : i32
        %dma_start3A_54 = tpu.memref_slice %arg8[%scan3A_28, %dma_start3A_53] : memref<125x80xi32, #tpu.memory_space<vmem>> -> memref<1x80xi32, #tpu.memory_space<vmem>>
        %dma_start3A_55 = tpu.memref_squeeze %dma_start3A_54 : memref<1x80xi32, #tpu.memory_space<vmem>> -> memref<80xi32, #tpu.memory_space<vmem>>
        %dma_start3A_56 = arith.constant 0 : i32
        %dma_start3A_57 = arith.constant 0 : i32
        %dma_start3A_58 = tpu.memref_slice %arg12[%dma_start3A_56, %dma_start3A_57] : memref<10000x64xf32, #tpu.memory_space<vmem_shared>> -> memref<10000x64xf32, #tpu.memory_space<vmem_shared>>
        tpu.enqueue_indirect_dma source(%arg9 : memref<80x64xf32, #tpu.memory_space<vmem>>) target(%dma_start3A_58 : memref<10000x64xf32, #tpu.memory_space<vmem_shared>>) offsets(%dma_start3A_55 : memref<80xi32, #tpu.memory_space<vmem>>) semaphore(%run_scoped3A : memref<!tpu.dma_semaphore, #tpu.memory_space<semaphore_mem>>) {add = true}
        %dma_wait3A_59 = arith.constant 0 : i32
        %dma_wait3A_60 = tpu.memref_slice %arg8[%scan3A_28, %dma_wait3A_59] : memref<125x80xi32, #tpu.memory_space<vmem>> -> memref<1x80xi32, #tpu.memory_space<vmem>>
        %dma_wait3A_61 = tpu.memref_squeeze %dma_wait3A_60 : memref<1x80xi32, #tpu.memory_space<vmem>> -> memref<80xi32, #tpu.memory_space<vmem>>
        %dma_wait3A_62 = arith.constant 0 : i32
        %dma_wait3A_63 = arith.constant 0 : i32
        %dma_wait3A_64 = tpu.memref_slice %arg12[%dma_wait3A_62, %dma_wait3A_63] : memref<10000x64xf32, #tpu.memory_space<vmem_shared>> -> memref<10000x64xf32, #tpu.memory_space<vmem_shared>>
        tpu.wait_indirect_dma semaphore(%run_scoped3A : memref<!tpu.dma_semaphore, #tpu.memory_space<semaphore_mem>>) src(%arg9 : memref<80x64xf32, #tpu.memory_space<vmem>>) dst(%dma_wait3A_64 : memref<10000x64xf32, #tpu.memory_space<vmem_shared>>)
        tpu.yield
      }) : () -> ()
      %get3A = arith.index_cast %scan3A_28 : i32 to index
      %get3A_39 = arith.constant 0 : index
      %get3A_40 = tpu.vector_load %arg8[%get3A, %get3A_39] {strides = array<i32>} : memref<125x80xi32, #tpu.memory_space<vmem>>, vector<16xi32>,
      tpu.vector_store_idx %arg11[%get3A_40], %broadcast_in_dim3A_16 {add = true} : memref<10000xf32, #tpu.memory_space<vmem>>[vector<16xi32>], vector<16xf32>,
      %get3A_41 = arith.index_cast %scan3A_28 : i32 to index
      %get3A_42 = arith.constant 16 : index
      %get3A_43 = tpu.vector_load %arg8[%get3A_41, %get3A_42] {strides = array<i32>} : memref<125x80xi32, #tpu.memory_space<vmem>>, vector<16xi32>,
      tpu.vector_store_idx %arg11[%get3A_43], %broadcast_in_dim3A_16 {add = true} : memref<10000xf32, #tpu.memory_space<vmem>>[vector<16xi32>], vector<16xf32>,
      %get3A_44 = arith.index_cast %scan3A_28 : i32 to index
      %get3A_45 = arith.constant 32 : index
      %get3A_46 = tpu.vector_load %arg8[%get3A_44, %get3A_45] {strides = array<i32>} : memref<125x80xi32, #tpu.memory_space<vmem>>, vector<16xi32>,
      tpu.vector_store_idx %arg11[%get3A_46], %broadcast_in_dim3A_16 {add = true} : memref<10000xf32, #tpu.memory_space<vmem>>[vector<16xi32>], vector<16xf32>,
      %get3A_47 = arith.index_cast %scan3A_28 : i32 to index
      %get3A_48 = arith.constant 48 : index
      %get3A_49 = tpu.vector_load %arg8[%get3A_47, %get3A_48] {strides = array<i32>} : memref<125x80xi32, #tpu.memory_space<vmem>>, vector<16xi32>,
      tpu.vector_store_idx %arg11[%get3A_49], %broadcast_in_dim3A_16 {add = true} : memref<10000xf32, #tpu.memory_space<vmem>>[vector<16xi32>], vector<16xf32>,
      %get3A_50 = arith.index_cast %scan3A_28 : i32 to index
      %get3A_51 = arith.constant 64 : index
      %get3A_52 = tpu.vector_load %arg8[%get3A_50, %get3A_51] {strides = array<i32>} : memref<125x80xi32, #tpu.memory_space<vmem>>, vector<16xi32>,
      tpu.vector_store_idx %arg11[%get3A_52], %broadcast_in_dim3A_16 {add = true} : memref<10000xf32, #tpu.memory_space<vmem>>[vector<16xi32>], vector<16xf32>,
    }
    %scan3A_22 = arith.constant 125 : i32
    %barrier3A_23 = arith.constant 0 : index
    tpu.barrier barrier_id(%barrier3A_23)
    %mul3A_24 = arith.constant 625 : i32
    %mul3A_25 = arith.muli %arg1, %mul3A_24 : i32
    "tpu.region"() ({
      %run_scoped3A = tpu.sem_alloc : memref<!tpu.dma_semaphore, #tpu.memory_space<semaphore_mem>>
      %dma_start3A = arith.constant 0 : i32
      %dma_start3A_28 = tpu.memref_slice %arg12[%mul3A_25, %dma_start3A] : memref<10000x64xf32, #tpu.memory_space<vmem_shared>> -> memref<625x64xf32, #tpu.memory_space<vmem_shared>>
      %dma_start3A_29 = arith.constant 0 : i32
      %dma_start3A_30 = tpu.memref_slice %arg12[%mul3A_25, %dma_start3A_29] : memref<10000x64xf32, #tpu.memory_space<vmem_shared>> -> memref<625x64xf32, #tpu.memory_space<vmem_shared>>
      tpu.enqueue_dma source(%dma_start3A_30 : memref<625x64xf32, #tpu.memory_space<vmem_shared>>) target(%arg10 : memref<625x64xf32, #tpu.memory_space<vmem>>) target_semaphore(%run_scoped3A : memref<!tpu.dma_semaphore, #tpu.memory_space<semaphore_mem>>)
      %dma_wait3A = arith.constant 0 : i32
      %dma_wait3A_31 = tpu.memref_slice %arg12[%mul3A_25, %dma_wait3A] : memref<10000x64xf32, #tpu.memory_space<vmem_shared>> -> memref<625x64xf32, #tpu.memory_space<vmem_shared>>
      %dma_wait3A_32 = arith.constant 0 : i32
      %dma_wait3A_33 = tpu.memref_slice %arg12[%mul3A_25, %dma_wait3A_32] : memref<10000x64xf32, #tpu.memory_space<vmem_shared>> -> memref<625x64xf32, #tpu.memory_space<vmem_shared>>
      tpu.wait_dma2 semaphore(%run_scoped3A : memref<!tpu.dma_semaphore, #tpu.memory_space<semaphore_mem>>) src(%dma_wait3A_33 : memref<625x64xf32, #tpu.memory_space<vmem_shared>>) dst(%arg10 : memref<625x64xf32, #tpu.memory_space<vmem>>)
      tpu.yield
    }) : () -> ()
    %mul3A_26 = arith.constant 625 : i32
    %mul3A_27 = arith.muli %arg1, %mul3A_26 : i32
    "tpu.region"() ({
      %run_scoped3A = tpu.sem_alloc : memref<!tpu.dma_semaphore, #tpu.memory_space<semaphore_mem>>
      %dma_start3A = arith.constant 0 : i32
      %dma_start3A_28 = tpu.memref_slice %arg5[%arg0, %mul3A_27, %dma_start3A] : memref<2x10000x64xf32, #tpu.memory_space<hbm>> -> memref<1x625x64xf32, #tpu.memory_space<hbm>>
      %dma_start3A_29 = tpu.memref_squeeze %dma_start3A_28 : memref<1x625x64xf32, #tpu.memory_space<hbm>> -> memref<625x64xf32, #tpu.memory_space<hbm>>
      %dma_start3A_30 = arith.constant 0 : i32
      %dma_start3A_31 = tpu.memref_slice %arg5[%arg0, %mul3A_27, %dma_start3A_30] : memref<2x10000x64xf32, #tpu.memory_space<hbm>> -> memref<1x625x64xf32, #tpu.memory_space<hbm>>
      %dma_start3A_32 = tpu.memref_squeeze %dma_start3A_31 : memref<1x625x64xf32, #tpu.memory_space<hbm>> -> memref<625x64xf32, #tpu.memory_space<hbm>>
      tpu.enqueue_dma source(%arg10 : memref<625x64xf32, #tpu.memory_space<vmem>>) target(%dma_start3A_32 : memref<625x64xf32, #tpu.memory_space<hbm>>) target_semaphore(%run_scoped3A : memref<!tpu.dma_semaphore, #tpu.memory_space<semaphore_mem>>)
      %dma_wait3A = arith.constant 0 : i32
      %dma_wait3A_33 = tpu.memref_slice %arg5[%arg0, %mul3A_27, %dma_wait3A] : memref<2x10000x64xf32, #tpu.memory_space<hbm>> -> memref<1x625x64xf32, #tpu.memory_space<hbm>>
      %dma_wait3A_34 = tpu.memref_squeeze %dma_wait3A_33 : memref<1x625x64xf32, #tpu.memory_space<hbm>> -> memref<625x64xf32, #tpu.memory_space<hbm>>
      %dma_wait3A_35 = arith.constant 0 : i32
      %dma_wait3A_36 = tpu.memref_slice %arg5[%arg0, %mul3A_27, %dma_wait3A_35] : memref<2x10000x64xf32, #tpu.memory_space<hbm>> -> memref<1x625x64xf32, #tpu.memory_space<hbm>>
      %dma_wait3A_37 = tpu.memref_squeeze %dma_wait3A_36 : memref<1x625x64xf32, #tpu.memory_space<hbm>> -> memref<625x64xf32, #tpu.memory_space<hbm>>
      tpu.wait_dma2 semaphore(%run_scoped3A : memref<!tpu.dma_semaphore, #tpu.memory_space<semaphore_mem>>) src(%arg10 : memref<625x64xf32, #tpu.memory_space<vmem>>) dst(%dma_wait3A_37 : memref<625x64xf32, #tpu.memory_space<hbm>>)
      tpu.yield
    }) : () -> ()
    "tpu.region"() ({
      %run_scoped3A = tpu.sem_alloc : memref<!tpu.dma_semaphore, #tpu.memory_space<semaphore_mem>>
      %dma_start3A = arith.constant 0 : i32
      %dma_start3A_28 = tpu.memref_slice %arg6[%add3A, %dma_start3A] : memref<32x10000xf32, #tpu.memory_space<hbm>> -> memref<1x10000xf32, #tpu.memory_space<hbm>>
      %dma_start3A_29 = tpu.memref_squeeze %dma_start3A_28 : memref<1x10000xf32, #tpu.memory_space<hbm>> -> memref<10000xf32, #tpu.memory_space<hbm>>
      %dma_start3A_30 = arith.constant 0 : i32
      %dma_start3A_31 = tpu.memref_slice %arg6[%add3A, %dma_start3A_30] : memref<32x10000xf32, #tpu.memory_space<hbm>> -> memref<1x10000xf32, #tpu.memory_space<hbm>>
      %dma_start3A_32 = tpu.memref_squeeze %dma_start3A_31 : memref<1x10000xf32, #tpu.memory_space<hbm>> -> memref<10000xf32, #tpu.memory_space<hbm>>
      tpu.enqueue_dma source(%arg11 : memref<10000xf32, #tpu.memory_space<vmem>>) target(%dma_start3A_32 : memref<10000xf32, #tpu.memory_space<hbm>>) target_semaphore(%run_scoped3A : memref<!tpu.dma_semaphore, #tpu.memory_space<semaphore_mem>>)
      %dma_wait3A = arith.constant 0 : i32
      %dma_wait3A_33 = tpu.memref_slice %arg6[%add3A, %dma_wait3A] : memref<32x10000xf32, #tpu.memory_space<hbm>> -> memref<1x10000xf32, #tpu.memory_space<hbm>>
      %dma_wait3A_34 = tpu.memref_squeeze %dma_wait3A_33 : memref<1x10000xf32, #tpu.memory_space<hbm>> -> memref<10000xf32, #tpu.memory_space<hbm>>
      %dma_wait3A_35 = arith.constant 0 : i32
      %dma_wait3A_36 = tpu.memref_slice %arg6[%add3A, %dma_wait3A_35] : memref<32x10000xf32, #tpu.memory_space<hbm>> -> memref<1x10000xf32, #tpu.memory_space<hbm>>
      %dma_wait3A_37 = tpu.memref_squeeze %dma_wait3A_36 : memref<1x10000xf32, #tpu.memory_space<hbm>> -> memref<10000xf32, #tpu.memory_space<hbm>>
      tpu.wait_dma2 semaphore(%run_scoped3A : memref<!tpu.dma_semaphore, #tpu.memory_space<semaphore_mem>>) src(%arg11 : memref<10000xf32, #tpu.memory_space<vmem>>) dst(%dma_wait3A_37 : memref<10000xf32, #tpu.memory_space<hbm>>)
      tpu.yield
    }) : () -> ()
    return
  }
}

#map = affine_map<(d0, d1) -> (0, 0)>
#map1 = affine_map<(d0, d1) -> (0, 0, 0)>
module attributes {stable_mosaic.version = 14 : i64} {
  func.func @body(%arg0: i32, %arg1: i32, %arg2: memref<10000x64xf32, #tpu.memory_space<hbm>>, %arg3: memref<32x125x80xi32, #tpu.memory_space<hbm>>, %arg4: memref<32x125x80xi32, #tpu.memory_space<hbm>>, %arg5: memref<2x10000x64xf32, #tpu.memory_space<hbm>>, %arg6: memref<125x80xi32, #tpu.memory_space<vmem>>, %arg7: memref<125x80xi32, #tpu.memory_space<vmem>>, %arg8: memref<80x64xf32, #tpu.memory_space<vmem>>, %arg9: memref<625x64xf32, #tpu.memory_space<vmem>>, %arg10: memref<10000xf32, #tpu.memory_space<vmem>>, %arg11: memref<10000x64xf32, #tpu.memory_space<vmem_shared>>, %arg12: memref<!tpu.dma_semaphore, #tpu.memory_space<semaphore_mem>>) attributes {dimension_semantics = [#tpu.dimension_semantics<core_parallel>, #tpu.dimension_semantics<subcore_parallel>], iteration_bounds = array<i64: 2, 16>, scalar_prefetch = 0 : i64, scratch_operands = 7 : i64, tpu.core_type = #tpu.core_type<sc_vector_subcore>, window_params = [{transform_indices = #map}, {transform_indices = #map1}, {transform_indices = #map1}, {transform_indices = #map1}]} {
    %mul3A = arith.constant 16 : i32
    %mul3A_0 = arith.muli %arg0, %mul3A : i32
    %add3A = arith.addi %mul3A_0, %arg1 : i32
    %broadcast_in_dim3A = arith.constant 0.000000e+00 : f32
    %broadcast_in_dim3A_1 = vector.broadcast %broadcast_in_dim3A : f32 to vector<16xf32>
    %scan3A = arith.constant 0 : i32
    %scan3A_2 = arith.constant 0 : i32
    %scan3A_3 = arith.constant 625 : i32
    %scan3A_4 = arith.addi %scan3A_2, %scan3A_3 : i32
    %scan3A_5 = arith.constant 1 : i32
    scf.for %scan3A_22 = %scan3A_2 to %scan3A_4 step %scan3A_5  : i32 {
      %swap3A = arith.index_cast %scan3A_22 : i32 to index
      %swap3A_23 = arith.constant 0 : index
      %swap3A_24 = tpu.vector_load %arg9[%swap3A, %swap3A_23] {strides = array<i32>} : memref<625x64xf32, #tpu.memory_space<vmem>>, vector<16xf32>,
      tpu.vector_store %arg9[%swap3A, %swap3A_23], %broadcast_in_dim3A_1 {strides = array<i32>} : memref<625x64xf32, #tpu.memory_space<vmem>>, vector<16xf32>,
      %swap3A_25 = arith.index_cast %scan3A_22 : i32 to index
      %swap3A_26 = arith.constant 16 : index
      %swap3A_27 = tpu.vector_load %arg9[%swap3A_25, %swap3A_26] {strides = array<i32>} : memref<625x64xf32, #tpu.memory_space<vmem>>, vector<16xf32>,
      tpu.vector_store %arg9[%swap3A_25, %swap3A_26], %broadcast_in_dim3A_1 {strides = array<i32>} : memref<625x64xf32, #tpu.memory_space<vmem>>, vector<16xf32>,
      %swap3A_28 = arith.index_cast %scan3A_22 : i32 to index
      %swap3A_29 = arith.constant 32 : index
      %swap3A_30 = tpu.vector_load %arg9[%swap3A_28, %swap3A_29] {strides = array<i32>} : memref<625x64xf32, #tpu.memory_space<vmem>>, vector<16xf32>,
      tpu.vector_store %arg9[%swap3A_28, %swap3A_29], %broadcast_in_dim3A_1 {strides = array<i32>} : memref<625x64xf32, #tpu.memory_space<vmem>>, vector<16xf32>,
      %swap3A_31 = arith.index_cast %scan3A_22 : i32 to index
      %swap3A_32 = arith.constant 48 : index
      %swap3A_33 = tpu.vector_load %arg9[%swap3A_31, %swap3A_32] {strides = array<i32>} : memref<625x64xf32, #tpu.memory_space<vmem>>, vector<16xf32>,
      tpu.vector_store %arg9[%swap3A_31, %swap3A_32], %broadcast_in_dim3A_1 {strides = array<i32>} : memref<625x64xf32, #tpu.memory_space<vmem>>, vector<16xf32>,
    }
    %scan3A_6 = arith.constant 625 : i32
    %mul3A_7 = arith.constant 625 : i32
    %mul3A_8 = arith.muli %arg1, %mul3A_7 : i32
    "tpu.region"() ({
      %run_scoped3A = tpu.sem_alloc : memref<!tpu.dma_semaphore, #tpu.memory_space<semaphore_mem>>
      %dma_start3A = arith.constant 0 : i32
      %dma_start3A_22 = tpu.memref_slice %arg11[%mul3A_8, %dma_start3A] : memref<10000x64xf32, #tpu.memory_space<vmem_shared>> -> memref<625x64xf32, #tpu.memory_space<vmem_shared>>
      %dma_start3A_23 = arith.constant 0 : i32
      %dma_start3A_24 = tpu.memref_slice %arg11[%mul3A_8, %dma_start3A_23] : memref<10000x64xf32, #tpu.memory_space<vmem_shared>> -> memref<625x64xf32, #tpu.memory_space<vmem_shared>>
      tpu.enqueue_dma source(%arg9 : memref<625x64xf32, #tpu.memory_space<vmem>>) target(%dma_start3A_24 : memref<625x64xf32, #tpu.memory_space<vmem_shared>>) target_semaphore(%run_scoped3A : memref<!tpu.dma_semaphore, #tpu.memory_space<semaphore_mem>>)
      %dma_wait3A = arith.constant 0 : i32
      %dma_wait3A_25 = tpu.memref_slice %arg11[%mul3A_8, %dma_wait3A] : memref<10000x64xf32, #tpu.memory_space<vmem_shared>> -> memref<625x64xf32, #tpu.memory_space<vmem_shared>>
      %dma_wait3A_26 = arith.constant 0 : i32
      %dma_wait3A_27 = tpu.memref_slice %arg11[%mul3A_8, %dma_wait3A_26] : memref<10000x64xf32, #tpu.memory_space<vmem_shared>> -> memref<625x64xf32, #tpu.memory_space<vmem_shared>>
      tpu.wait_dma2 semaphore(%run_scoped3A : memref<!tpu.dma_semaphore, #tpu.memory_space<semaphore_mem>>) src(%arg9 : memref<625x64xf32, #tpu.memory_space<vmem>>) dst(%dma_wait3A_27 : memref<625x64xf32, #tpu.memory_space<vmem_shared>>)
      tpu.yield
    }) : () -> ()
    "tpu.region"() ({
      %run_scoped3A = tpu.sem_alloc : memref<!tpu.dma_semaphore, #tpu.memory_space<semaphore_mem>>
      %dma_start3A = arith.constant 0 : i32
      %dma_start3A_22 = arith.constant 0 : i32
      %dma_start3A_23 = tpu.memref_slice %arg3[%add3A, %dma_start3A, %dma_start3A_22] : memref<32x125x80xi32, #tpu.memory_space<hbm>> -> memref<1x125x80xi32, #tpu.memory_space<hbm>>
      %dma_start3A_24 = tpu.memref_squeeze %dma_start3A_23 : memref<1x125x80xi32, #tpu.memory_space<hbm>> -> memref<125x80xi32, #tpu.memory_space<hbm>>
      %dma_start3A_25 = arith.constant 0 : i32
      %dma_start3A_26 = arith.constant 0 : i32
      %dma_start3A_27 = tpu.memref_slice %arg3[%add3A, %dma_start3A_25, %dma_start3A_26] : memref<32x125x80xi32, #tpu.memory_space<hbm>> -> memref<1x125x80xi32, #tpu.memory_space<hbm>>
      %dma_start3A_28 = tpu.memref_squeeze %dma_start3A_27 : memref<1x125x80xi32, #tpu.memory_space<hbm>> -> memref<125x80xi32, #tpu.memory_space<hbm>>
      tpu.enqueue_dma source(%dma_start3A_28 : memref<125x80xi32, #tpu.memory_space<hbm>>) target(%arg6 : memref<125x80xi32, #tpu.memory_space<vmem>>) target_semaphore(%run_scoped3A : memref<!tpu.dma_semaphore, #tpu.memory_space<semaphore_mem>>)
      %dma_wait3A = arith.constant 0 : i32
      %dma_wait3A_29 = arith.constant 0 : i32
      %dma_wait3A_30 = tpu.memref_slice %arg3[%add3A, %dma_wait3A, %dma_wait3A_29] : memref<32x125x80xi32, #tpu.memory_space<hbm>> -> memref<1x125x80xi32, #tpu.memory_space<hbm>>
      %dma_wait3A_31 = tpu.memref_squeeze %dma_wait3A_30 : memref<1x125x80xi32, #tpu.memory_space<hbm>> -> memref<125x80xi32, #tpu.memory_space<hbm>>
      %dma_wait3A_32 = arith.constant 0 : i32
      %dma_wait3A_33 = arith.constant 0 : i32
      %dma_wait3A_34 = tpu.memref_slice %arg3[%add3A, %dma_wait3A_32, %dma_wait3A_33] : memref<32x125x80xi32, #tpu.memory_space<hbm>> -> memref<1x125x80xi32, #tpu.memory_space<hbm>>
      %dma_wait3A_35 = tpu.memref_squeeze %dma_wait3A_34 : memref<1x125x80xi32, #tpu.memory_space<hbm>> -> memref<125x80xi32, #tpu.memory_space<hbm>>
      tpu.wait_dma2 semaphore(%run_scoped3A : memref<!tpu.dma_semaphore, #tpu.memory_space<semaphore_mem>>) src(%dma_wait3A_35 : memref<125x80xi32, #tpu.memory_space<hbm>>) dst(%arg6 : memref<125x80xi32, #tpu.memory_space<vmem>>)
      tpu.yield
    }) : () -> ()
    "tpu.region"() ({
      %run_scoped3A = tpu.sem_alloc : memref<!tpu.dma_semaphore, #tpu.memory_space<semaphore_mem>>
      %dma_start3A = arith.constant 0 : i32
      %dma_start3A_22 = arith.constant 0 : i32
      %dma_start3A_23 = tpu.memref_slice %arg4[%add3A, %dma_start3A, %dma_start3A_22] : memref<32x125x80xi32, #tpu.memory_space<hbm>> -> memref<1x125x80xi32, #tpu.memory_space<hbm>>
      %dma_start3A_24 = tpu.memref_squeeze %dma_start3A_23 : memref<1x125x80xi32, #tpu.memory_space<hbm>> -> memref<125x80xi32, #tpu.memory_space<hbm>>
      %dma_start3A_25 = arith.constant 0 : i32
      %dma_start3A_26 = arith.constant 0 : i32
      %dma_start3A_27 = tpu.memref_slice %arg4[%add3A, %dma_start3A_25, %dma_start3A_26] : memref<32x125x80xi32, #tpu.memory_space<hbm>> -> memref<1x125x80xi32, #tpu.memory_space<hbm>>
      %dma_start3A_28 = tpu.memref_squeeze %dma_start3A_27 : memref<1x125x80xi32, #tpu.memory_space<hbm>> -> memref<125x80xi32, #tpu.memory_space<hbm>>
      tpu.enqueue_dma source(%dma_start3A_28 : memref<125x80xi32, #tpu.memory_space<hbm>>) target(%arg7 : memref<125x80xi32, #tpu.memory_space<vmem>>) target_semaphore(%run_scoped3A : memref<!tpu.dma_semaphore, #tpu.memory_space<semaphore_mem>>)
      %dma_wait3A = arith.constant 0 : i32
      %dma_wait3A_29 = arith.constant 0 : i32
      %dma_wait3A_30 = tpu.memref_slice %arg4[%add3A, %dma_wait3A, %dma_wait3A_29] : memref<32x125x80xi32, #tpu.memory_space<hbm>> -> memref<1x125x80xi32, #tpu.memory_space<hbm>>
      %dma_wait3A_31 = tpu.memref_squeeze %dma_wait3A_30 : memref<1x125x80xi32, #tpu.memory_space<hbm>> -> memref<125x80xi32, #tpu.memory_space<hbm>>
      %dma_wait3A_32 = arith.constant 0 : i32
      %dma_wait3A_33 = arith.constant 0 : i32
      %dma_wait3A_34 = tpu.memref_slice %arg4[%add3A, %dma_wait3A_32, %dma_wait3A_33] : memref<32x125x80xi32, #tpu.memory_space<hbm>> -> memref<1x125x80xi32, #tpu.memory_space<hbm>>
      %dma_wait3A_35 = tpu.memref_squeeze %dma_wait3A_34 : memref<1x125x80xi32, #tpu.memory_space<hbm>> -> memref<125x80xi32, #tpu.memory_space<hbm>>
      tpu.wait_dma2 semaphore(%run_scoped3A : memref<!tpu.dma_semaphore, #tpu.memory_space<semaphore_mem>>) src(%dma_wait3A_35 : memref<125x80xi32, #tpu.memory_space<hbm>>) dst(%arg7 : memref<125x80xi32, #tpu.memory_space<vmem>>)
      tpu.yield
    }) : () -> ()
    %barrier3A = arith.constant 0 : index
    tpu.barrier barrier_id(%barrier3A)
    %broadcast_in_dim3A_9 = arith.constant 1.000000e+00 : f32
    %broadcast_in_dim3A_10 = vector.broadcast %broadcast_in_dim3A_9 : f32 to vector<16xf32>
    %scan3A_11 = arith.constant 0 : i32
    %scan3A_12 = arith.constant 0 : i32
    %scan3A_13 = arith.constant 125 : i32
    %scan3A_14 = arith.addi %scan3A_12, %scan3A_13 : i32
    %scan3A_15 = arith.constant 1 : i32
    scf.for %scan3A_22 = %scan3A_12 to %scan3A_14 step %scan3A_15  : i32 {
      %dma_start3A = arith.constant 0 : i32
      %dma_start3A_23 = tpu.memref_slice %arg6[%scan3A_22, %dma_start3A] : memref<125x80xi32, #tpu.memory_space<vmem>> -> memref<1x80xi32, #tpu.memory_space<vmem>>
      %dma_start3A_24 = tpu.memref_squeeze %dma_start3A_23 : memref<1x80xi32, #tpu.memory_space<vmem>> -> memref<80xi32, #tpu.memory_space<vmem>>
      %dma_start3A_25 = arith.constant 0 : i32
      %dma_start3A_26 = arith.constant 0 : i32
      %dma_start3A_27 = tpu.memref_slice %arg2[%dma_start3A_25, %dma_start3A_26] : memref<10000x64xf32, #tpu.memory_space<hbm>> -> memref<10000x64xf32, #tpu.memory_space<hbm>>
      tpu.enqueue_indirect_dma source(%dma_start3A_27 : memref<10000x64xf32, #tpu.memory_space<hbm>>) target(%arg8 : memref<80x64xf32, #tpu.memory_space<vmem>>) offsets(%dma_start3A_24 : memref<80xi32, #tpu.memory_space<vmem>>) semaphore(%arg12 : memref<!tpu.dma_semaphore, #tpu.memory_space<semaphore_mem>>)
      %dma_wait3A = arith.constant 0 : i32
      %dma_wait3A_28 = tpu.memref_slice %arg6[%scan3A_22, %dma_wait3A] : memref<125x80xi32, #tpu.memory_space<vmem>> -> memref<1x80xi32, #tpu.memory_space<vmem>>
      %dma_wait3A_29 = tpu.memref_squeeze %dma_wait3A_28 : memref<1x80xi32, #tpu.memory_space<vmem>> -> memref<80xi32, #tpu.memory_space<vmem>>
      %dma_wait3A_30 = arith.constant 0 : i32
      %dma_wait3A_31 = arith.constant 0 : i32
      %dma_wait3A_32 = tpu.memref_slice %arg2[%dma_wait3A_30, %dma_wait3A_31] : memref<10000x64xf32, #tpu.memory_space<hbm>> -> memref<10000x64xf32, #tpu.memory_space<hbm>>
      tpu.wait_indirect_dma semaphore(%arg12 : memref<!tpu.dma_semaphore, #tpu.memory_space<semaphore_mem>>) src(%dma_wait3A_32 : memref<10000x64xf32, #tpu.memory_space<hbm>>) dst(%arg8 : memref<80x64xf32, #tpu.memory_space<vmem>>)
      "tpu.region"() ({
        %run_scoped3A = tpu.sem_alloc : memref<!tpu.dma_semaphore, #tpu.memory_space<semaphore_mem>>
        %dma_start3A_33 = arith.constant 0 : i32
        %dma_start3A_34 = tpu.memref_slice %arg7[%scan3A_22, %dma_start3A_33] : memref<125x80xi32, #tpu.memory_space<vmem>> -> memref<1x80xi32, #tpu.memory_space<vmem>>
        %dma_start3A_35 = tpu.memref_squeeze %dma_start3A_34 : memref<1x80xi32, #tpu.memory_space<vmem>> -> memref<80xi32, #tpu.memory_space<vmem>>
        %dma_start3A_36 = arith.constant 0 : i32
        %dma_start3A_37 = arith.constant 0 : i32
        %dma_start3A_38 = tpu.memref_slice %arg11[%dma_start3A_36, %dma_start3A_37] : memref<10000x64xf32, #tpu.memory_space<vmem_shared>> -> memref<10000x64xf32, #tpu.memory_space<vmem_shared>>
        tpu.enqueue_indirect_dma source(%arg8 : memref<80x64xf32, #tpu.memory_space<vmem>>) target(%dma_start3A_38 : memref<10000x64xf32, #tpu.memory_space<vmem_shared>>) offsets(%dma_start3A_35 : memref<80xi32, #tpu.memory_space<vmem>>) semaphore(%run_scoped3A : memref<!tpu.dma_semaphore, #tpu.memory_space<semaphore_mem>>) {add = true}
        %dma_wait3A_39 = arith.constant 0 : i32
        %dma_wait3A_40 = tpu.memref_slice %arg7[%scan3A_22, %dma_wait3A_39] : memref<125x80xi32, #tpu.memory_space<vmem>> -> memref<1x80xi32, #tpu.memory_space<vmem>>
        %dma_wait3A_41 = tpu.memref_squeeze %dma_wait3A_40 : memref<1x80xi32, #tpu.memory_space<vmem>> -> memref<80xi32, #tpu.memory_space<vmem>>
        %dma_wait3A_42 = arith.constant 0 : i32
        %dma_wait3A_43 = arith.constant 0 : i32
        %dma_wait3A_44 = tpu.memref_slice %arg11[%dma_wait3A_42, %dma_wait3A_43] : memref<10000x64xf32, #tpu.memory_space<vmem_shared>> -> memref<10000x64xf32, #tpu.memory_space<vmem_shared>>
        tpu.wait_indirect_dma semaphore(%run_scoped3A : memref<!tpu.dma_semaphore, #tpu.memory_space<semaphore_mem>>) src(%arg8 : memref<80x64xf32, #tpu.memory_space<vmem>>) dst(%dma_wait3A_44 : memref<10000x64xf32, #tpu.memory_space<vmem_shared>>)
        tpu.yield
      }) : () -> ()
    }
    %scan3A_16 = arith.constant 125 : i32
    %barrier3A_17 = arith.constant 0 : index
    tpu.barrier barrier_id(%barrier3A_17)
    %mul3A_18 = arith.constant 625 : i32
    %mul3A_19 = arith.muli %arg1, %mul3A_18 : i32
    "tpu.region"() ({
      %run_scoped3A = tpu.sem_alloc : memref<!tpu.dma_semaphore, #tpu.memory_space<semaphore_mem>>
      %dma_start3A = arith.constant 0 : i32
      %dma_start3A_22 = tpu.memref_slice %arg11[%mul3A_19, %dma_start3A] : memref<10000x64xf32, #tpu.memory_space<vmem_shared>> -> memref<625x64xf32, #tpu.memory_space<vmem_shared>>
      %dma_start3A_23 = arith.constant 0 : i32
      %dma_start3A_24 = tpu.memref_slice %arg11[%mul3A_19, %dma_start3A_23] : memref<10000x64xf32, #tpu.memory_space<vmem_shared>> -> memref<625x64xf32, #tpu.memory_space<vmem_shared>>
      tpu.enqueue_dma source(%dma_start3A_24 : memref<625x64xf32, #tpu.memory_space<vmem_shared>>) target(%arg9 : memref<625x64xf32, #tpu.memory_space<vmem>>) target_semaphore(%run_scoped3A : memref<!tpu.dma_semaphore, #tpu.memory_space<semaphore_mem>>)
      %dma_wait3A = arith.constant 0 : i32
      %dma_wait3A_25 = tpu.memref_slice %arg11[%mul3A_19, %dma_wait3A] : memref<10000x64xf32, #tpu.memory_space<vmem_shared>> -> memref<625x64xf32, #tpu.memory_space<vmem_shared>>
      %dma_wait3A_26 = arith.constant 0 : i32
      %dma_wait3A_27 = tpu.memref_slice %arg11[%mul3A_19, %dma_wait3A_26] : memref<10000x64xf32, #tpu.memory_space<vmem_shared>> -> memref<625x64xf32, #tpu.memory_space<vmem_shared>>
      tpu.wait_dma2 semaphore(%run_scoped3A : memref<!tpu.dma_semaphore, #tpu.memory_space<semaphore_mem>>) src(%dma_wait3A_27 : memref<625x64xf32, #tpu.memory_space<vmem_shared>>) dst(%arg9 : memref<625x64xf32, #tpu.memory_space<vmem>>)
      tpu.yield
    }) : () -> ()
    %mul3A_20 = arith.constant 625 : i32
    %mul3A_21 = arith.muli %arg1, %mul3A_20 : i32
    "tpu.region"() ({
      %run_scoped3A = tpu.sem_alloc : memref<!tpu.dma_semaphore, #tpu.memory_space<semaphore_mem>>
      %dma_start3A = arith.constant 0 : i32
      %dma_start3A_22 = tpu.memref_slice %arg5[%arg0, %mul3A_21, %dma_start3A] : memref<2x10000x64xf32, #tpu.memory_space<hbm>> -> memref<1x625x64xf32, #tpu.memory_space<hbm>>
      %dma_start3A_23 = tpu.memref_squeeze %dma_start3A_22 : memref<1x625x64xf32, #tpu.memory_space<hbm>> -> memref<625x64xf32, #tpu.memory_space<hbm>>
      %dma_start3A_24 = arith.constant 0 : i32
      %dma_start3A_25 = tpu.memref_slice %arg5[%arg0, %mul3A_21, %dma_start3A_24] : memref<2x10000x64xf32, #tpu.memory_space<hbm>> -> memref<1x625x64xf32, #tpu.memory_space<hbm>>
      %dma_start3A_26 = tpu.memref_squeeze %dma_start3A_25 : memref<1x625x64xf32, #tpu.memory_space<hbm>> -> memref<625x64xf32, #tpu.memory_space<hbm>>
      tpu.enqueue_dma source(%arg9 : memref<625x64xf32, #tpu.memory_space<vmem>>) target(%dma_start3A_26 : memref<625x64xf32, #tpu.memory_space<hbm>>) target_semaphore(%run_scoped3A : memref<!tpu.dma_semaphore, #tpu.memory_space<semaphore_mem>>)
      %dma_wait3A = arith.constant 0 : i32
      %dma_wait3A_27 = tpu.memref_slice %arg5[%arg0, %mul3A_21, %dma_wait3A] : memref<2x10000x64xf32, #tpu.memory_space<hbm>> -> memref<1x625x64xf32, #tpu.memory_space<hbm>>
      %dma_wait3A_28 = tpu.memref_squeeze %dma_wait3A_27 : memref<1x625x64xf32, #tpu.memory_space<hbm>> -> memref<625x64xf32, #tpu.memory_space<hbm>>
      %dma_wait3A_29 = arith.constant 0 : i32
      %dma_wait3A_30 = tpu.memref_slice %arg5[%arg0, %mul3A_21, %dma_wait3A_29] : memref<2x10000x64xf32, #tpu.memory_space<hbm>> -> memref<1x625x64xf32, #tpu.memory_space<hbm>>
      %dma_wait3A_31 = tpu.memref_squeeze %dma_wait3A_30 : memref<1x625x64xf32, #tpu.memory_space<hbm>> -> memref<625x64xf32, #tpu.memory_space<hbm>>
      tpu.wait_dma2 semaphore(%run_scoped3A : memref<!tpu.dma_semaphore, #tpu.memory_space<semaphore_mem>>) src(%arg9 : memref<625x64xf32, #tpu.memory_space<vmem>>) dst(%dma_wait3A_31 : memref<625x64xf32, #tpu.memory_space<hbm>>)
      tpu.yield
    }) : () -> ()
    return
  }
}

module attributes {stable_mosaic.version = 14 : i64} {
  func.func @_enc_body(%arg0: memref<10000x128xf32, #tpu.memory_space<vmem>>, %arg1: memref<128x64xf32, #tpu.memory_space<vmem>>, %arg2: memref<1x64xf32, #tpu.memory_space<vmem>>, %arg3: memref<64x64xf32, #tpu.memory_space<vmem>>, %arg4: memref<10000x64xf32, #tpu.memory_space<vmem>>, %arg5: memref<10000x64xf32, #tpu.memory_space<vmem>>) attributes {dimension_semantics = [], scalar_prefetch = 0 : i64, scratch_operands = 0 : i64, tpu.core_type = #tpu.core_type<tc>} {
    %get3A = arith.constant 0 : index
    %get3A_0 = arith.constant 0 : index
    %get3A_1 = vector.load %arg0[%get3A, %get3A_0] : memref<10000x128xf32, #tpu.memory_space<vmem>>, vector<10000x128xf32>
    %get3A_2 = arith.constant 0 : index
    %get3A_3 = arith.constant 0 : index
    %get3A_4 = vector.load %arg1[%get3A_2, %get3A_3] : memref<128x64xf32, #tpu.memory_space<vmem>>, vector<128x64xf32>
    %dot_general3A = arith.constant dense<0.000000e+00> : vector<10000x64xf32>
    %dot_general3A_5 = tpu.matmul %get3A_1, %get3A_4, %dot_general3A {dimension_numbers = #tpu.dot_dimension_numbers<[1], [0], [0], [1], [0, 0, 1, 1], [], []>, transpose_lhs_hint = false} : vector<10000x128xf32>, vector<128x64xf32>, vector<10000x64xf32> -> vector<10000x64xf32>
    %get3A_6 = arith.constant 0 : index
    %get3A_7 = arith.constant 0 : index
    %get3A_8 = vector.load %arg2[%get3A_6, %get3A_7] : memref<1x64xf32, #tpu.memory_space<vmem>>, vector<1x64xf32>
    %add3A = vector.broadcast %get3A_8 : vector<1x64xf32> to vector<10000x64xf32>
    %add3A_9 = arith.addf %dot_general3A_5, %add3A : vector<10000x64xf32>
    %max3A = arith.constant 0.000000e+00 : f32
    %max3A_10 = vector.broadcast %max3A : f32 to vector<10000x64xf32>
    %max3A_11 = arith.maximumf %add3A_9, %max3A_10 : vector<10000x64xf32>
    %swap3A = arith.constant 0 : index
    %swap3A_12 = arith.constant 0 : index
    %swap3A_13 = vector.load %arg4[%swap3A, %swap3A_12] : memref<10000x64xf32, #tpu.memory_space<vmem>>, vector<10000x64xf32>
    tpu.vector_store %arg4[%swap3A, %swap3A_12], %max3A_11 {strides = array<i32>} : memref<10000x64xf32, #tpu.memory_space<vmem>>, vector<10000x64xf32>,
    %get3A_14 = arith.constant 0 : index
    %get3A_15 = arith.constant 0 : index
    %get3A_16 = vector.load %arg3[%get3A_14, %get3A_15] : memref<64x64xf32, #tpu.memory_space<vmem>>, vector<64x64xf32>
    %dot_general3A_17 = arith.constant dense<0.000000e+00> : vector<10000x64xf32>
    %dot_general3A_18 = tpu.matmul %max3A_11, %get3A_16, %dot_general3A_17 {dimension_numbers = #tpu.dot_dimension_numbers<[1], [0], [0], [1], [0, 0, 1, 1], [], []>, transpose_lhs_hint = false} : vector<10000x64xf32>, vector<64x64xf32>, vector<10000x64xf32> -> vector<10000x64xf32>
    %swap3A_19 = arith.constant 0 : index
    %swap3A_20 = arith.constant 0 : index
    %swap3A_21 = vector.load %arg5[%swap3A_19, %swap3A_20] : memref<10000x64xf32, #tpu.memory_space<vmem>>, vector<10000x64xf32>
    tpu.vector_store %arg5[%swap3A_19, %swap3A_20], %dot_general3A_18 {strides = array<i32>} : memref<10000x64xf32, #tpu.memory_space<vmem>>, vector<10000x64xf32>,
    return
  }
}

module attributes {stable_mosaic.version = 14 : i64} {
  func.func @_mid_body(%arg0: memref<2x10000x64xf32, #tpu.memory_space<vmem>>, %arg1: memref<32x10000xf32, #tpu.memory_space<vmem>>, %arg2: memref<10000x64xf32, #tpu.memory_space<vmem>>, %arg3: memref<64x64xf32, #tpu.memory_space<vmem>>, %arg4: memref<1x64xf32, #tpu.memory_space<vmem>>, %arg5: memref<1x64xf32, #tpu.memory_space<vmem>>, %arg6: memref<1x64xf32, #tpu.memory_space<vmem>>, %arg7: memref<64x64xf32, #tpu.memory_space<vmem>>, %arg8: memref<10000x64xf32, #tpu.memory_space<vmem>>, %arg9: memref<10000x64xf32, #tpu.memory_space<vmem>>) attributes {dimension_semantics = [], scalar_prefetch = 0 : i64, scratch_operands = 0 : i64, tpu.core_type = #tpu.core_type<tc>} {
    %get3A = arith.constant 0 : index
    %get3A_0 = arith.constant 0 : index
    %get3A_1 = vector.load %arg1[%get3A, %get3A_0] : memref<32x10000xf32, #tpu.memory_space<vmem>>, vector<32x10000xf32>
    %reduce_sum3A = arith.constant dense<0.000000e+00> : vector<10000xf32>
    %reduce_sum3A_2 = vector.multi_reduction <add>, %get3A_1, %reduce_sum3A [0] : vector<32x10000xf32> to vector<10000xf32>
    %max3A = arith.constant 1.000000e+00 : f32
    %max3A_3 = vector.broadcast %max3A : f32 to vector<10000xf32>
    %max3A_4 = arith.maximumf %reduce_sum3A_2, %max3A_3 : vector<10000xf32>
    %div3A = arith.constant 1.000000e+00 : f32
    %div3A_5 = vector.broadcast %div3A : f32 to vector<10000xf32>
    %div3A_6 = arith.divf %div3A_5, %max3A_4 : vector<10000xf32>
    %broadcast_in_dim3A = vector.shape_cast %div3A_6 : vector<10000xf32> to vector<10000x1xf32>
    %get3A_7 = arith.constant 0 : index
    %get3A_8 = arith.constant 0 : index
    %get3A_9 = arith.constant 0 : index
    %get3A_10 = vector.load %arg0[%get3A_7, %get3A_8, %get3A_9] : memref<2x10000x64xf32, #tpu.memory_space<vmem>>, vector<1x10000x64xf32>
    %get3A_11 = vector.shape_cast %get3A_10 : vector<1x10000x64xf32> to vector<10000x64xf32>
    %get3A_12 = arith.constant 1 : index
    %get3A_13 = arith.constant 0 : index
    %get3A_14 = arith.constant 0 : index
    %get3A_15 = vector.load %arg0[%get3A_12, %get3A_13, %get3A_14] : memref<2x10000x64xf32, #tpu.memory_space<vmem>>, vector<1x10000x64xf32>
    %get3A_16 = vector.shape_cast %get3A_15 : vector<1x10000x64xf32> to vector<10000x64xf32>
    %add3A = arith.addf %get3A_11, %get3A_16 : vector<10000x64xf32>
    %mul3A = vector.broadcast %broadcast_in_dim3A : vector<10000x1xf32> to vector<10000x64xf32>
    %mul3A_17 = arith.mulf %add3A, %mul3A : vector<10000x64xf32>
    %get3A_18 = arith.constant 0 : index
    %get3A_19 = arith.constant 0 : index
    %get3A_20 = vector.load %arg4[%get3A_18, %get3A_19] : memref<1x64xf32, #tpu.memory_space<vmem>>, vector<1x64xf32>
    %add3A_21 = vector.broadcast %get3A_20 : vector<1x64xf32> to vector<10000x64xf32>
    %add3A_22 = arith.addf %mul3A_17, %add3A_21 : vector<10000x64xf32>
    %get3A_23 = arith.constant 0 : index
    %get3A_24 = arith.constant 0 : index
    %get3A_25 = vector.load %arg2[%get3A_23, %get3A_24] : memref<10000x64xf32, #tpu.memory_space<vmem>>, vector<10000x64xf32>
    %get3A_26 = arith.constant 0 : index
    %get3A_27 = arith.constant 0 : index
    %get3A_28 = vector.load %arg3[%get3A_26, %get3A_27] : memref<64x64xf32, #tpu.memory_space<vmem>>, vector<64x64xf32>
    %dot_general3A = arith.constant dense<0.000000e+00> : vector<10000x64xf32>
    %dot_general3A_29 = tpu.matmul %get3A_25, %get3A_28, %dot_general3A {dimension_numbers = #tpu.dot_dimension_numbers<[1], [0], [0], [1], [0, 0, 1, 1], [], []>, transpose_lhs_hint = false} : vector<10000x64xf32>, vector<64x64xf32>, vector<10000x64xf32> -> vector<10000x64xf32>
    %add3A_30 = arith.addf %add3A_22, %dot_general3A_29 : vector<10000x64xf32>
    %reduce_sum3A_31 = arith.constant dense<0.000000e+00> : vector<64xf32>
    %reduce_sum3A_32 = vector.multi_reduction <add>, %add3A_30, %reduce_sum3A_31 [0] : vector<10000x64xf32> to vector<64xf32>
    %broadcast_in_dim3A_33 = vector.shape_cast %reduce_sum3A_32 : vector<64xf32> to vector<1x64xf32>
    %div3A_34 = arith.constant 1.000000e+04 : f32
    %div3A_35 = vector.broadcast %div3A_34 : f32 to vector<1x64xf32>
    %div3A_36 = arith.divf %broadcast_in_dim3A_33, %div3A_35 : vector<1x64xf32>
    %sub3A = vector.broadcast %div3A_36 : vector<1x64xf32> to vector<10000x64xf32>
    %sub3A_37 = arith.subf %add3A_30, %sub3A : vector<10000x64xf32>
    %integer_pow3A = arith.mulf %sub3A_37, %sub3A_37 : vector<10000x64xf32>
    %reduce_sum3A_38 = arith.constant dense<0.000000e+00> : vector<64xf32>
    %reduce_sum3A_39 = vector.multi_reduction <add>, %integer_pow3A, %reduce_sum3A_38 [0] : vector<10000x64xf32> to vector<64xf32>
    %broadcast_in_dim3A_40 = vector.shape_cast %reduce_sum3A_39 : vector<64xf32> to vector<1x64xf32>
    %div3A_41 = arith.constant 1.000000e+04 : f32
    %div3A_42 = vector.broadcast %div3A_41 : f32 to vector<1x64xf32>
    %div3A_43 = arith.divf %broadcast_in_dim3A_40, %div3A_42 : vector<1x64xf32>
    %get3A_44 = arith.constant 0 : index
    %get3A_45 = arith.constant 0 : index
    %get3A_46 = vector.load %arg5[%get3A_44, %get3A_45] : memref<1x64xf32, #tpu.memory_space<vmem>>, vector<1x64xf32>
    %sub3A_47 = vector.broadcast %div3A_36 : vector<1x64xf32> to vector<10000x64xf32>
    %sub3A_48 = arith.subf %add3A_30, %sub3A_47 : vector<10000x64xf32>
    %mul3A_49 = vector.broadcast %get3A_46 : vector<1x64xf32> to vector<10000x64xf32>
    %mul3A_50 = arith.mulf %mul3A_49, %sub3A_48 : vector<10000x64xf32>
    %add3A_51 = arith.constant 9.99999974E-6 : f32
    %add3A_52 = vector.broadcast %add3A_51 : f32 to vector<1x64xf32>
    %add3A_53 = arith.addf %div3A_43, %add3A_52 : vector<1x64xf32>
    %rsqrt3A = math.rsqrt %add3A_53 : vector<1x64xf32>
    %mul3A_54 = vector.broadcast %rsqrt3A : vector<1x64xf32> to vector<10000x64xf32>
    %mul3A_55 = arith.mulf %mul3A_50, %mul3A_54 : vector<10000x64xf32>
    %get3A_56 = arith.constant 0 : index
    %get3A_57 = arith.constant 0 : index
    %get3A_58 = vector.load %arg6[%get3A_56, %get3A_57] : memref<1x64xf32, #tpu.memory_space<vmem>>, vector<1x64xf32>
    %add3A_59 = vector.broadcast %get3A_58 : vector<1x64xf32> to vector<10000x64xf32>
    %add3A_60 = arith.addf %mul3A_55, %add3A_59 : vector<10000x64xf32>
    %max3A_61 = arith.constant 0.000000e+00 : f32
    %max3A_62 = vector.broadcast %max3A_61 : f32 to vector<10000x64xf32>
    %max3A_63 = arith.maximumf %add3A_60, %max3A_62 : vector<10000x64xf32>
    %swap3A = arith.constant 0 : index
    %swap3A_64 = arith.constant 0 : index
    %swap3A_65 = vector.load %arg8[%swap3A, %swap3A_64] : memref<10000x64xf32, #tpu.memory_space<vmem>>, vector<10000x64xf32>
    tpu.vector_store %arg8[%swap3A, %swap3A_64], %max3A_63 {strides = array<i32>} : memref<10000x64xf32, #tpu.memory_space<vmem>>, vector<10000x64xf32>,
    %get3A_66 = arith.constant 0 : index
    %get3A_67 = arith.constant 0 : index
    %get3A_68 = vector.load %arg7[%get3A_66, %get3A_67] : memref<64x64xf32, #tpu.memory_space<vmem>>, vector<64x64xf32>
    %dot_general3A_69 = arith.constant dense<0.000000e+00> : vector<10000x64xf32>
    %dot_general3A_70 = tpu.matmul %max3A_63, %get3A_68, %dot_general3A_69 {dimension_numbers = #tpu.dot_dimension_numbers<[1], [0], [0], [1], [0, 0, 1, 1], [], []>, transpose_lhs_hint = false} : vector<10000x64xf32>, vector<64x64xf32>, vector<10000x64xf32> -> vector<10000x64xf32>
    %swap3A_71 = arith.constant 0 : index
    %swap3A_72 = arith.constant 0 : index
    %swap3A_73 = vector.load %arg9[%swap3A_71, %swap3A_72] : memref<10000x64xf32, #tpu.memory_space<vmem>>, vector<10000x64xf32>
    tpu.vector_store %arg9[%swap3A_71, %swap3A_72], %dot_general3A_70 {strides = array<i32>} : memref<10000x64xf32, #tpu.memory_space<vmem>>, vector<10000x64xf32>,
    return
  }
}

module attributes {stable_mosaic.version = 14 : i64} {
  func.func @_fin_body(%arg0: memref<2x10000x64xf32, #tpu.memory_space<vmem>>, %arg1: memref<32x10000xf32, #tpu.memory_space<vmem>>, %arg2: memref<10000x64xf32, #tpu.memory_space<vmem>>, %arg3: memref<64x64xf32, #tpu.memory_space<vmem>>, %arg4: memref<1x64xf32, #tpu.memory_space<vmem>>, %arg5: memref<64x4xf32, #tpu.memory_space<vmem>>, %arg6: memref<1x4xf32, #tpu.memory_space<vmem>>, %arg7: memref<10000x4xf32, #tpu.memory_space<vmem>>) attributes {dimension_semantics = [], scalar_prefetch = 0 : i64, scratch_operands = 0 : i64, tpu.core_type = #tpu.core_type<tc>} {
    %get3A = arith.constant 0 : index
    %get3A_0 = arith.constant 0 : index
    %get3A_1 = vector.load %arg1[%get3A, %get3A_0] : memref<32x10000xf32, #tpu.memory_space<vmem>>, vector<32x10000xf32>
    %reduce_sum3A = arith.constant dense<0.000000e+00> : vector<10000xf32>
    %reduce_sum3A_2 = vector.multi_reduction <add>, %get3A_1, %reduce_sum3A [0] : vector<32x10000xf32> to vector<10000xf32>
    %max3A = arith.constant 1.000000e+00 : f32
    %max3A_3 = vector.broadcast %max3A : f32 to vector<10000xf32>
    %max3A_4 = arith.maximumf %reduce_sum3A_2, %max3A_3 : vector<10000xf32>
    %div3A = arith.constant 1.000000e+00 : f32
    %div3A_5 = vector.broadcast %div3A : f32 to vector<10000xf32>
    %div3A_6 = arith.divf %div3A_5, %max3A_4 : vector<10000xf32>
    %broadcast_in_dim3A = vector.shape_cast %div3A_6 : vector<10000xf32> to vector<10000x1xf32>
    %get3A_7 = arith.constant 0 : index
    %get3A_8 = arith.constant 0 : index
    %get3A_9 = arith.constant 0 : index
    %get3A_10 = vector.load %arg0[%get3A_7, %get3A_8, %get3A_9] : memref<2x10000x64xf32, #tpu.memory_space<vmem>>, vector<1x10000x64xf32>
    %get3A_11 = vector.shape_cast %get3A_10 : vector<1x10000x64xf32> to vector<10000x64xf32>
    %get3A_12 = arith.constant 1 : index
    %get3A_13 = arith.constant 0 : index
    %get3A_14 = arith.constant 0 : index
    %get3A_15 = vector.load %arg0[%get3A_12, %get3A_13, %get3A_14] : memref<2x10000x64xf32, #tpu.memory_space<vmem>>, vector<1x10000x64xf32>
    %get3A_16 = vector.shape_cast %get3A_15 : vector<1x10000x64xf32> to vector<10000x64xf32>
    %add3A = arith.addf %get3A_11, %get3A_16 : vector<10000x64xf32>
    %mul3A = vector.broadcast %broadcast_in_dim3A : vector<10000x1xf32> to vector<10000x64xf32>
    %mul3A_17 = arith.mulf %add3A, %mul3A : vector<10000x64xf32>
    %get3A_18 = arith.constant 0 : index
    %get3A_19 = arith.constant 0 : index
    %get3A_20 = vector.load %arg4[%get3A_18, %get3A_19] : memref<1x64xf32, #tpu.memory_space<vmem>>, vector<1x64xf32>
    %add3A_21 = vector.broadcast %get3A_20 : vector<1x64xf32> to vector<10000x64xf32>
    %add3A_22 = arith.addf %mul3A_17, %add3A_21 : vector<10000x64xf32>
    %get3A_23 = arith.constant 0 : index
    %get3A_24 = arith.constant 0 : index
    %get3A_25 = vector.load %arg2[%get3A_23, %get3A_24] : memref<10000x64xf32, #tpu.memory_space<vmem>>, vector<10000x64xf32>
    %get3A_26 = arith.constant 0 : index
    %get3A_27 = arith.constant 0 : index
    %get3A_28 = vector.load %arg3[%get3A_26, %get3A_27] : memref<64x64xf32, #tpu.memory_space<vmem>>, vector<64x64xf32>
    %dot_general3A = arith.constant dense<0.000000e+00> : vector<10000x64xf32>
    %dot_general3A_29 = tpu.matmul %get3A_25, %get3A_28, %dot_general3A {dimension_numbers = #tpu.dot_dimension_numbers<[1], [0], [0], [1], [0, 0, 1, 1], [], []>, transpose_lhs_hint = false} : vector<10000x64xf32>, vector<64x64xf32>, vector<10000x64xf32> -> vector<10000x64xf32>
    %add3A_30 = arith.addf %add3A_22, %dot_general3A_29 : vector<10000x64xf32>
    %get3A_31 = arith.constant 0 : index
    %get3A_32 = arith.constant 0 : index
    %get3A_33 = vector.load %arg5[%get3A_31, %get3A_32] : memref<64x4xf32, #tpu.memory_space<vmem>>, vector<64x4xf32>
    %dot_general3A_34 = arith.constant dense<0.000000e+00> : vector<10000x4xf32>
    %dot_general3A_35 = tpu.matmul %add3A_30, %get3A_33, %dot_general3A_34 {dimension_numbers = #tpu.dot_dimension_numbers<[1], [0], [0], [1], [0, 0, 1, 1], [], []>, transpose_lhs_hint = false} : vector<10000x64xf32>, vector<64x4xf32>, vector<10000x4xf32> -> vector<10000x4xf32>
    %get3A_36 = arith.constant 0 : index
    %get3A_37 = arith.constant 0 : index
    %get3A_38 = vector.load %arg6[%get3A_36, %get3A_37] : memref<1x4xf32, #tpu.memory_space<vmem>>, vector<1x4xf32>
    %add3A_39 = vector.broadcast %get3A_38 : vector<1x4xf32> to vector<10000x4xf32>
    %add3A_40 = arith.addf %dot_general3A_35, %add3A_39 : vector<10000x4xf32>
    %swap3A = arith.constant 0 : index
    %swap3A_41 = arith.constant 0 : index
    %swap3A_42 = vector.load %arg7[%swap3A, %swap3A_41] : memref<10000x4xf32, #tpu.memory_space<vmem>>, vector<10000x4xf32>
    tpu.vector_store %arg7[%swap3A, %swap3A_41], %add3A_40 {strides = array<i32>} : memref<10000x4xf32, #tpu.memory_space<vmem>>, vector<10000x4xf32>,
    return
  }
}

</mosaic_0001>

<sc_bundles>
// kernel: kernel.11.cloned.1.call-start
scs
__scs_entry_jumppad:
0x0: {  	(pc) =	sbr.rel $0x88, $3  }
0x1: {  	(tag) =	ssettag $0x0;
	lr =	simm.s32 $0x1  }
0x2: {  	[smem:$0x3F96] =	sst lr;
	_ =	strace $0xD0000000  }
0x3: {  	_ = 	snop  }
0x4: {  	_ = 	snop  }
0x5: {  	_ = 	snop  }
0x6: {  	_ = 	snop  }
0x7: {  	_ = 	snop  }
__scs_overlays_trampoline_lowered:
0x8: {  	[smem:$0x3FA5] =	sst s0  }
0x9: {  	[smem:$0x3FA6] =	sst s1  }
0xa: {  	[smem:$0x3FA7] =	sst s2  }
0xb: {  	[smem:$0x3FA8] =	sst s3  }
0xc: {  	[smem:$0x3FA9] =	sst s4  }
0xd: {  	[smem:$0x3FAA] =	sst s5  }
0xe: {  	[smem:$0x3FAB] =	sst s6  }
0xf: {  	[smem:$0x3FAC] =	sst s7  }
0x10: {  	[smem:$0x3FAD] =	sst s8  }
0x11: {  	[smem:$0x3FAE] =	sst s9;
	s0 =	simm.s32 @!p0 $0x0  }
0x12: {  	s1 =	sld [smem:$0x3F94];
	s0 =	simm.s32 @p0 $0x1  }
0x13: {  	[smem:$0x3FAF] =	sst s0;
	s0 =	simm.s32 @!p1 $0x0  }
0x14: {  	s2 =	sld [smem:$0x3F93];
	s0 =	simm.s32 @p1 $0x1  }
0x15: {  	[smem:$0x3FB0] =	sst s0;
	s0 =	simm.s32 @!p2 $0x0  }
0x16: {  	s3 =	sld [smem:$0x3FDB];
	s0 =	simm.s32 @p2 $0x1  }
0x17: {  	s4 =	simm.s32 $0x1BF5;
	[smem:$0x3FB2] =	sst s0  }
0x18: {  	s0 =	sld [smem:$0x3F95];
	_ =	swait.ge [sflag:s4], $0x0  }
0x19: {  	s7 =	sld [smem:$0x3F96]  }
0x1a: {  	s8 =	sadd.s32 $0xFFFFE003, lr  }
0x1b: {  	s9 =	sadd.s32 $0xFFFFFEF7, lr;
	s5 =	simm.s32 $0xFFFFFFFF;
	p2 =	slt.u32 s8, $0xFFFFF086  }
0x1c: {  	p1 =	slt.u32 s9, $0xF7A;
	s5 =	simm.s32 @!p2 $0x0  }
0x1d: {  	s5 =	simm.s32 @p1 $0x1;
	p0 =	seq.s32 s7, s2  }
0x1e: {  	s7 =	smul.u32 @!p0 $0xF7A, s2;
	p2 =	seq.s32 @!p0 s5, $0x0  }
0x1f: {  	s9 =	smul.u32 $0xF7A, s1;
	s8 =	simm.s32 @!p0 $0x1BF5;
	p2 =	por !p2, p0  }
0x20: {  	[sflag:s8] =	ssyncset.s32 @!p0 $0xFFFFF086;
	s6 =	sadd.s32 @!p0 s3, s7;
	s7 =	simm.s32 @!p0 $0x108  }
0x21: {  	s3 =	sadd.s32 s3, s9;
	s6 =	sadd.s32 @!p0 $0x88, s6;
	s7 =	simm.s32 @p2 $0x1082  }
0x22: {  	[simem:s7], [sflag:s8] =	dma.local @!p0 [hbm:s6], $0xF7A  }
0x23: {  	s9 =	sor.u32 $0xD0000000, s2;
	s6 =	simm.s32 $0x108;
	_ =	swait.ge @!p0 [sflag:s8], $0x0  }
0x24: {  	s3 =	sadd.s32 $0x88, s3;
	s6 =	simm.s32 @!p1 $0x1082;
	[sflag:s4] =	ssyncset.s32 $0xFFFFF086  }
0x25: {  	[simem:s6], [sflag:s4] =	dma.local [hbm:s3], $0xF7A  }
0x26: {  	[smem:$0x3F96] =	sst s1;
	(tag) =	ssettag s2;
	_ =	strace s9  }
0x27: {  	s1 =	sld [smem:$0x3FA6]  }
0x28: {  	s2 =	sld [smem:$0x3FA7]  }
0x29: {  	s4 =	sld [smem:$0x3FA9]  }
0x2a: {  	p0 =	seq.s32 s5, $0x0;
	s5 =	sld [smem:$0x3FAA]  }
0x2b: {  	s6 =	sld [smem:$0x3FAB]  }
0x2c: {  	s7 =	sld [smem:$0x3FAC]  }
0x2d: {  	s3 =	simm.s32 $0x108;
	s8 =	sld [smem:$0x3FAD]  }
0x2e: {  	s3 =	simm.s32 @!p0 $0x1082;
	s9 =	sld [smem:$0x3FAE]  }
0x2f: {  	lr =	sadd.s32 s0, s3;
	s0 =	sld [smem:$0x3FA5]  }
0x30: {  	s3 =	sld [smem:$0x3FA8]  }
0x31: {  	[smem:$0x3FB1] =	sst s10  }
0x32: {  	s10 =	sld [smem:$0x3FAF];
	_ =	sdelay $0x3  }
0x33: {  	p0 =	seq.s32 s10, $0x1;
	s10 =	sld [smem:$0x3FB1];
	_ =	sdelay $0x3  }
0x34: {  	[smem:$0x3FB1] =	sst s10  }
0x35: {  	s10 =	sld [smem:$0x3FB0];
	_ =	sdelay $0x3  }
0x36: {  	p1 =	seq.s32 s10, $0x1;
	s10 =	sld [smem:$0x3FB1];
	_ =	sdelay $0x3  }
0x37: {  	[smem:$0x3FB1] =	sst s10  }
0x38: {  	s10 =	sld [smem:$0x3FB2]  }
0x39: {  	_ = 	snop;
	(pc) =	sbr.ind lr, $3  }
0x3a: {  	_ = 	snop  }
0x3b: {  	_ = 	snop  }
0x3c: {  	p2 =	seq.s32 s10, $0x1;
	s10 =	sld [smem:$0x3FB1]  }
0x3d: {  	_ =	shalt  }
0x3e: {  	_ =	shalt  }
0x3f: {  	_ =	shalt  }
0x40: {  	_ =	shalt  }
0x41: {  	_ =	shalt  }
0x42: {  	_ =	shalt  }
0x43: {  	_ =	shalt  }
0x44: {  	_ =	shalt  }
0x45: {  	_ =	shalt  }
0x46: {  	_ =	shalt  }
0x47: {  	_ =	shalt  }
0x48: {  	_ =	shalt  }
0x49: {  	_ =	shalt  }
0x4a: {  	_ =	shalt  }
0x4b: {  	_ =	shalt  }
0x4c: {  	_ =	shalt  }
0x4d: {  	_ =	shalt  }
0x4e: {  	_ =	shalt  }
0x4f: {  	_ =	shalt  }
0x50: {  	_ =	shalt  }
0x51: {  	_ =	shalt  }
0x52: {  	_ =	shalt  }
0x53: {  	_ =	shalt  }
0x54: {  	_ =	shalt  }
0x55: {  	_ =	shalt  }
0x56: {  	_ =	shalt  }
0x57: {  	_ =	shalt  }
0x58: {  	_ =	shalt  }
0x59: {  	_ =	shalt  }
0x5a: {  	_ =	shalt  }
0x5b: {  	_ =	shalt  }
0x5c: {  	_ =	shalt  }
0x5d: {  	_ =	shalt  }
0x5e: {  	_ =	shalt  }
0x5f: {  	_ =	shalt  }
0x60: {  	_ =	shalt  }
0x61: {  	_ =	shalt  }
0x62: {  	_ =	shalt  }
0x63: {  	_ =	shalt  }
0x64: {  	_ =	shalt  }
0x65: {  	_ =	shalt  }
0x66: {  	_ =	shalt  }
0x67: {  	_ =	shalt  }
0x68: {  	_ =	shalt  }
0x69: {  	_ =	shalt  }
0x6a: {  	_ =	shalt  }
0x6b: {  	_ =	shalt  }
0x6c: {  	_ =	shalt  }
0x6d: {  	_ =	shalt  }
0x6e: {  	_ =	shalt  }
0x6f: {  	_ =	shalt  }
0x70: {  	_ =	shalt  }
0x71: {  	_ =	shalt  }
0x72: {  	_ =	shalt  }
0x73: {  	_ =	shalt  }
0x74: {  	_ =	shalt  }
0x75: {  	_ =	shalt  }
0x76: {  	_ =	shalt  }
0x77: {  	_ =	shalt  }
0x78: {  	_ =	shalt  }
0x79: {  	_ =	shalt  }
0x7a: {  	_ =	shalt  }
0x7b: {  	_ =	shalt  }
0x7c: {  	_ =	shalt  }
0x7d: {  	_ =	shalt  }
0x7e: {  	_ =	shalt  }
0x7f: {  	_ =	shalt  }
0x80: {  	_ =	shalt  }
0x81: {  	_ =	shalt  }
0x82: {  	_ =	shalt  }
0x83: {  	_ =	shalt  }
0x84: {  	_ =	shalt  }
0x85: {  	_ =	shalt  }
0x86: {  	_ =	shalt  }
0x87: {  	_ =	shalt  }
.Lfunc_end0:
.L_simem_size_0:
called_computation_lowered:
.L_overlay_start_0:
0x88: {  	s2 =	sld [smem:$0x3FD9]  }
0x89: {  	s3 =	sld [smem:$0x3FFE];
	_ =	sdelay $0x1  }
0x8a: {  	s1 =	srdreg.scid  }
0x8b: {  	s0 =	sand.u32 $0x1, s1  }
0x8c: {  	s16 =	sshll.u32 s0, $0xA;
	s2 =	sadd.s32 s3, s2  }
0x8d: {  	s2 =	sadd.s32 s2, s16  }
0x8e: {  	[smem:$0x3FBD] =	sst s2  }
0x8f: {  	_ = 	snop  }
0x90: {  	(tm) =	ssettm $0x1  }
0x91: {  	s17 =	sld [smem:$0x3FFB];
	_ =	sdelay $0x3  }
0x92: {  	_ =	strace s17  }
0x93: {  	s2 =	sld [smem:$0x3FFC];
	_ =	sdelay $0x3  }
0x94: {  	_ =	strace s2  }
0x95: {  	s2 =	sld [smem:$0x3FFD];
	_ =	sdelay $0x3  }
0x96: {  	_ =	strace s2  }
0x97: {  	_ =	strace $0x8FFFFFFF  }
0x98: {  	s18 =	sld [smem:$0x3FDB];
	_ =	sdelay $0x1  }
0x99: {  	s19 =	simm.s32 $_scs_section_size  }
0x9a: {  	s4 =	simm.s32 $_size__tile_overlayer_lowered;
	s5 =	simm.s32 $_tile_overlayer_lowered  }
0x9b: {  	s22 =	simm.s32 $0x1BFF;
	s21 =	sshll.u32 s5, $0x1;
	s2 =	sadd.s32 s19, s18  }
0x9c: {  	s6 =	simm.s32 $0x0;
	s20 =	sshll.u32 s4, $0x1;
	s4 =	sadd.s32 s21, s2  }
0x9d: {  	[timem:s6], [sflag:s22] =	dma.local [hbm:s4], s20  }
0x9e: {  	_ =	swait.ge [sflag:s22], s20  }
0x9f: {  	s3 =	ssub.s32 $0x0, s20;
	[sflag:s22] =	ssyncset.done $0x0  }
0xa0: {  	[sflag:s22] =	ssyncadd.s32 s3;
	_ =	sdelay $0x1  }
0xa1: {  	s23 =	simm.s32 $0x1B8B  }
0xa2: {  	_ =	swait.ge [sflag:s23], $0x1  }
0xa3: {  	[sflag:s23] =	ssyncset.done $0x0  }
0xa4: {  	s25 =	simm.s32 $0x1B8E;
	s24 =	sld [smem:$0x3FFE];
	[sflag:s23] =	ssyncadd.s32 $0xFFFFFFFF  }
0xa5: {  	s26 =	simm.s32 $execute0_lowered;
	[smem:$0x3FD2] =	sst s25  }
0xa6: {  	s4 =	sshll.u32 s26, $0x1;
	_ =	strace $0x80000046;
	[dreg:$0x1] =	wrdreg $0xFFFFFFFF  }
0xa7: {  	s28 =	simm.s32 $_size_execute0_lowered;
	s2 =	sadd.s32 s2, s4;
	[dreg:$0x0] =	wrdreg $0x0  }
0xa8: {  	s4 =	sshll.u32 s28, $0x1;
	[dreg:$0x2] =	wrdreg s2  }
0xa9: {  	[dreg:$0x3] =	wrdreg s4  }
0xaa: {  	[dreg:$0x4] =	wrdreg $0xC0  }
0xab: {  	_ =	task [dreg:s6], $0x5FFFF  }
0xac: {  	[dreg:$0x1] =	wrdreg $0xFFFFFFFF  }
0xad: {  	[dreg:$0x0] =	wrdreg $0x60  }
0xae: {  	[dreg:$0x2] =	wrdreg s24  }
0xaf: {  	[dreg:$0x3] =	wrdreg $0x125700  }
0xb0: {  	[dreg:$0x4] =	wrdreg $0x9  }
0xb1: {  	_ =	task.clear_ibuf [dreg:s6], $0x5FFFF;
	_ =	strace $0x90000046  }
0xb2: {  	s29 =	simm.s32 $0x9;
	_ =	strace $0x80000048  }
0xb3: {  	_ =	swait.ge [sflag:s29], $0x1  }
0xb4: {  	[sflag:s29] =	ssyncadd.s32 $0xFFFFFFFF  }
0xb5: {  	_ =	strace $0x90000048  }
0xb6: {  	_ =	sfence  }
0xb7: {  	s30 =	sld [smem:$0x0];
	_ =	sdelay $0x2  }
0xb8: {  	s31 =	sshll.u32 s1, $0xD;
	s1 =	sshrl.u32 s1, $0x2  }
0xb9: {  	s3 =	sand.u32 $0x4000, s31;
	s1 =	sadd.s32 s1, s30  }
0xba: {  	s0 =	sor.u32 s3, s0;
	s1 =	sshll.u32 s1, $0x11  }
0xbb: {  	s0 =	sor.u32 s1, s0  }
0xbc: {  	s0 =	sadd.s32 $0x8F2B, s0  }
0xbd: {  	[sflag:s0] =	ssyncadd.remote.s32 $0x1  }
0xbe: {  	_ =	sfence.sel $0xFFFF  }
0xbf: {  	[dreg:$0x0] =	wrdreg $0xFFFFFFFF;
	(pc) =	sbr.abs _section_cstart, $3  }
0xc0: {  	[dreg:$0x1] =	wrdreg $0xFFFFFFFF  }
0xc1: {  	_ =	task.clear_ibuf [dreg:s6], $0x2FFFF;
	_ =	strace $0x9FFFFFFF  }
0xc2: {  	(tm) =	ssettm $0x7FFFFFFF  }
0xc3: {  	_ =	shalt  }
tec
execute0_lowered:
.L_overlay_start_1:
0x0: {  	(tag) =	ssettag $0x1  }
0x1: {  	s5 =	rddreg [dreg:$0x0]  }
0x2: {  	s2 =	rddreg [dreg:$0x1];
	s3 =	srdreg.scid  }
0x3: {  	s1 =	stileid.u32;
	s0 =	rddreg [dreg:$0x2];
	s12 =	simm.s32 $0x2  }
0x4: {  	s13 =	simm.s32 $0x2710;
	s14 =	simm.s32 $0x50;
	s15 =	simm.s32 $0x4E20  }
0x5: {  	s16 =	simm.s32 $0x1;
	s17 =	simm.s32 $0xFE60;
	s18 =	simm.s32 $0x0  }
0x6: {  	s6 =	sand.u32 $0x1, s3;
	s7 =	smul.u32 $0x9C40, s1;
	s3 =	simm.s32 $0x0  }
0x7: {  	s4 =	smul.u32 $0x9C400, s6;
	s8 =	sshll.u32 s6, $0x4;
	[smem:$0x7FF] =	sst s3  }
0x8: {  	s6 =	ssub.s32 $0x2, s6;
	s8 =	sor.u32 s1, s8;
	_ =	strace $0x80000047  }
0x9: {  	s31 =	sshrl.u32 s6, $0x1;
	s9 =	sadd.s32 s7, s4;
	s8 =	smul.u32 $0x4E2, s8  }
0xa: {  	s4 =	sadd.s32 $0x2A00, s5;
	s11 =	ssub.s32 s6, s31;
	s9 =	sshrl.u32 s9, $0x3  }
0xb: {  	s9 =	sadd.s32 s9, s5;
	s10 =	sadd.s32 s8, s5;
	s5 =	sadd.s32 s7, s2  }
0xc: {  	s6 =	sadd.s32 $0x20200, s10;
	s7 =	sadd.s32 $0x16400, s10;
	s8 =	sadd.s32 $0x33E00, s9  }
0xd: {  	v0 =	vimm.f32 $0.0e+00;
	v1 =	vimm.f32 $1.000000000e+00;
	s9 =	sadd.s32 $0x2A000, s10;
	s10 =	smax.u32 s11, $0x1;
	s11 =	simm.s32 $0x6220  }
.LBB2_1:
0xe: {  	s20 =	simm.s32 $0x100;
	s19 =	simm.s32 $0x0  }
.LBB2_2:
0xf: {  	p0 =	sne.s32 s20, $0x27000;
	[tilespmem:s19+$0x6250] =	vst v0;
	s21 =	smov.u32 s20;
	s20 =	sadd.s32 $0x100, s20  }
.Ltmp0:
0x10: {  	[tilespmem:s19+$0x6240] =	vst v0;
	(pc) =	sbr.rel @p0 .LBB2_2-.Ltmp0, $3  }
0x11: {  	[tilespmem:s19+$0x6220] =	vst v0  }
0x12: {  	[tilespmem:s19+$0x6230] =	vst v0;
	_ =	sdelay $0x1  }
0x13: {  	s19 =	sshra.s32 s21, $0x2  }
0x14: {  	[tilespmem:s19+$0x6250] =	vst v0  }
0x15: {  	[tilespmem:s19+$0x6240] =	vst v0  }
0x16: {  	[tilespmem:s19+$0x6220] =	vst v0  }
0x17: {  	[tilespmem:s19+$0x6230] =	vst v0  }
0x18: {  	[spmem:s5] =	stream.linear.scatter [tilespmem:s11], [sflag:$0x2], $0x9C40, $0x38;
	[tilespmem:$0x1C1B0] =	vst v63  }
0x19: {  	_ =	swait.ge [sflag:s12], $0x9C40  }
0x1a: {  	[sflag:s12] =	ssyncset.done $0x0  }
0x1b: {  	s19 =	simm.s32 $0x40;
	s20 =	simm.s32 $0x0;
	[sflag:s12] =	ssyncadd.s32 $0xFFFF63C0  }
.LBB2_4:
0x1c: {  	p0 =	sne.s32 s19, $0x9C00;
	[tilespmem:s20+$0xFE60] =	vst v0;
	s20 =	smov.u32 s19;
	s19 =	sadd.s32 $0x40, s19  }
.Ltmp1:
0x1d: {  	(pc) =	sbr.rel @p0 .LBB2_4-.Ltmp1, $2  }
0x1e: {  	_ =	sdelay $0x2  }
0x1f: {  	s20 =	sshra.s32 s20, $0x2  }
0x20: {  	[tilespmem:s20+$0xFE60] =	vst v0;
	s19 =	simm.s32 $0x0  }
0x21: {  	[tilespmem:s19], [sflag:$0x2] =	stream.linear.gather [hbm4b:s6+s19], $0x2710, $0x38;
	[tilespmem:$0x1C1B0] =	vst v63  }
0x22: {  	_ =	swait.ge [sflag:s12], $0x2710  }
0x23: {  	[sflag:s12] =	ssyncset.done $0x0  }
0x24: {  	[sflag:s12] =	ssyncadd.s32 $0xFFFFD8F0  }
0x25: {  	[tilespmem:s13], [sflag:$0x2] =	stream.linear.gather [hbm4b:s7+s19], $0x2710, $0x38;
	[tilespmem:$0x1C1B0] =	vst v63  }
0x26: {  	_ =	swait.ge [sflag:s12], $0x2710  }
0x27: {  	[sflag:s12] =	ssyncset.done $0x0  }
0x28: {  	[sflag:s12] =	ssyncadd.s32 $0xFFFFD8F0  }
0x29: {  	[bflag:$0x0] =	sbarrier.arrive $0xFFFF  }
.LBB2_6:
0x2a: {  	s20 =	sshra.s32 s19, $0x2  }
0x2b: {  	[tilespmem:s15], [sflag:$0x1] =	stream.indirect.gather [hbm4b:s4+s14], $0x40, s20, s14, $0xb8;
	[tilespmem:$0x1C1B0] =	vst v63  }
0x2c: {  	_ =	swait.ge [sflag:s16], $0x1400  }
0x2d: {  	[sflag:s16] =	ssyncset.done $0x0  }
0x2e: {  	s21 =	sadd.s32 $0x2710, s20;
	[sflag:s16] =	ssyncadd.s32 $0xFFFFEC00  }
0x2f: {  	[spmem:s2] =	stream.indirect.scatter.add.f32 [tilespmem:s15], [sflag:$0x2], $0x40, s21, s14, $0xb8;
	[tilespmem:$0x1C1B0] =	vst v63  }
0x30: {  	_ =	swait.ge [sflag:s12], $0x1400  }
0x31: {  	[sflag:s12] =	ssyncset.done $0x0  }
0x32: {  	[sflag:s12] =	ssyncadd.s32 $0xFFFFEC00  }
0x33: {  	v2 =	vld [tilespmem:s20+$0x2710];
	_ =	sdelay $0x7  }
0x34: {  	[tilespmem:v2+s17+$0x0] =	vst.idx.add.f32.msk $0xffff, v1  }
0x35: {  	v2 =	vld [tilespmem:s20+$0x2720];
	_ =	sdelay $0x7  }
0x36: {  	[tilespmem:v2+s17+$0x0] =	vst.idx.add.f32.msk $0xffff, v1  }
0x37: {  	v2 =	vld [tilespmem:s20+$0x2730];
	_ =	sdelay $0x7  }
0x38: {  	[tilespmem:v2+s17+$0x0] =	vst.idx.add.f32.msk $0xffff, v1  }
0x39: {  	v2 =	vld [tilespmem:s20+$0x2740];
	_ =	sdelay $0x7  }
0x3a: {  	[tilespmem:v2+s17+$0x0] =	vst.idx.add.f32.msk $0xffff, v1  }
0x3b: {  	v2 =	vld [tilespmem:s20+$0x2750];
	_ =	sdelay $0x2  }
0x3c: {  	p0 =	sne.s32 s19, $0x9B00  }
.Ltmp2:
0x3d: {  	_ = 	snop;
	(pc) =	sbr.rel @p0 .LBB2_6-.Ltmp2, $2  }
0x3e: {  	_ =	sdelay $0x2  }
0x3f: {  	s19 =	sadd.s32 $0x140, s19;
	[tilespmem:v2+s17+$0x0] =	vst.idx.add.f32.msk $0xffff, v1  }
0x40: {  	[bflag:$0x0] =	sbarrier.arrive $0xFFFF  }
0x41: {  	[tilespmem:s11], [sflag:$0x2] =	stream.linear.gather [spmem:s5], $0x9C40, $0x38;
	[tilespmem:$0x1C1B0] =	vst v63  }
0x42: {  	_ =	swait.ge [sflag:s12], $0x9C40  }
0x43: {  	[sflag:s12] =	ssyncset.done $0x0  }
0x44: {  	[sflag:s12] =	ssyncadd.s32 $0xFFFF63C0  }
0x45: {  	[hbm4b:s8+s3] =	stream.linear.scatter [tilespmem:s11], [sflag:$0x2], $0x9C40, $0x38;
	[tilespmem:$0x1C1B0] =	vst v63  }
0x46: {  	s18 =	sadd.s32 $0x1, s18;
	_ =	swait.ge [sflag:s12], $0x9C40  }
0x47: {  	p0 =	sne.s32 s18, s10;
	[sflag:s12] =	ssyncset.done $0x0  }
.Ltmp3:
0x48: {  	[sflag:s12] =	ssyncadd.s32 $0xFFFF63C0;
	(pc) =	sbr.rel @p0 .LBB2_1-.Ltmp3, $4  }
0x49: {  	[hbm4b:s9+s3] =	stream.linear.scatter [tilespmem:s17], [sflag:$0x2], $0x2710, $0x38;
	[tilespmem:$0x1C1B0] =	vst v63  }
0x4a: {  	_ =	swait.ge [sflag:s12], $0x2710  }
0x4b: {  	[sflag:s12] =	ssyncset.done $0x0  }
0x4c: {  	[sflag:s12] =	ssyncadd.s32 $0xFFFFD8F0  }
0x4d: {  	_ =	sfence.sel $0x180000  }
0x4e: {  	[bflag:$0x0] =	sbarrier.arrive $0xFFFF  }
0x4f: {  	p0 =	sne.s32 s1, $0x0;
	_ =	strace $0x90000047  }
0x50: {  	s0 =	sadd.s32 @!p0 $0x100000, s0;
	[bflag:$0x2] =	sbarrier.arrive $0xFFFF  }
0x51: {  	[sflag:s0] =	ssyncadd.tile.s32 @!p0 $0x1;
	_ =	shalt  }
.Lfunc_end2:
_tile_overlayer_lowered:
.L_overlay_start_2:
0x52: {  	(tag) =	ssettag $0x2  }
0x53: {  	s0 =	rddreg [dreg:$0x0];
	s2 =	stileid.u32  }
0x54: {  	s1 =	rddreg [dreg:$0x1];
	p0 =	sne.s32 s2, $0x0  }
0x55: {  	s3 =	rddreg [dreg:$0x2];
	[bflag:$0x3] =	sbarrier.arrive $0xFFFF;
	s2 =	simm.s32 @!p0 $0x1C02  }
0x56: {  	[timem:s3], [sflag:s2] =	dma.local @!p0 [hbm:s0], s1  }
0x57: {  	s0 =	simm.s32 @!p0 $0x2  }
0x58: {  	_ =	swait.ge @!p0 [sflag:s0], s1  }
0x59: {  	s1 =	ssub.s32 @!p0 $0x0, s1;
	[sflag:s0] =	ssyncset.done @!p0 $0x0  }
0x5a: {  	[sflag:s0] =	ssyncadd.s32 @!p0 s1  }
0x5b: {  	[bflag:$0x3] =	sbarrier.arrive $0xFFFF  }
0x5c: {  	_ =	shalt  }

// kernel: kernel.14.cloned.1.call-start
scs
__scs_entry_jumppad:
0x0: {  	(pc) =	sbr.rel $0x88, $3  }
0x1: {  	(tag) =	ssettag $0x0;
	lr =	simm.s32 $0x1  }
0x2: {  	[smem:$0x3F96] =	sst lr;
	_ =	strace $0xD0000000  }
0x3: {  	_ = 	snop  }
0x4: {  	_ = 	snop  }
0x5: {  	_ = 	snop  }
0x6: {  	_ = 	snop  }
0x7: {  	_ = 	snop  }
__scs_overlays_trampoline_lowered:
0x8: {  	[smem:$0x3FA5] =	sst s0  }
0x9: {  	[smem:$0x3FA6] =	sst s1  }
0xa: {  	[smem:$0x3FA7] =	sst s2  }
0xb: {  	[smem:$0x3FA8] =	sst s3  }
0xc: {  	[smem:$0x3FA9] =	sst s4  }
0xd: {  	[smem:$0x3FAA] =	sst s5  }
0xe: {  	[smem:$0x3FAB] =	sst s6  }
0xf: {  	[smem:$0x3FAC] =	sst s7  }
0x10: {  	[smem:$0x3FAD] =	sst s8  }
0x11: {  	[smem:$0x3FAE] =	sst s9;
	s0 =	simm.s32 @!p0 $0x0  }
0x12: {  	s1 =	sld [smem:$0x3F94];
	s0 =	simm.s32 @p0 $0x1  }
0x13: {  	[smem:$0x3FAF] =	sst s0;
	s0 =	simm.s32 @!p1 $0x0  }
0x14: {  	s2 =	sld [smem:$0x3F93];
	s0 =	simm.s32 @p1 $0x1  }
0x15: {  	[smem:$0x3FB0] =	sst s0;
	s0 =	simm.s32 @!p2 $0x0  }
0x16: {  	s3 =	sld [smem:$0x3FDB];
	s0 =	simm.s32 @p2 $0x1  }
0x17: {  	s4 =	simm.s32 $0x1BF5;
	[smem:$0x3FB2] =	sst s0  }
0x18: {  	s0 =	sld [smem:$0x3F95];
	_ =	swait.ge [sflag:s4], $0x0  }
0x19: {  	s7 =	sld [smem:$0x3F96]  }
0x1a: {  	s8 =	sadd.s32 $0xFFFFE003, lr  }
0x1b: {  	s9 =	sadd.s32 $0xFFFFFEF7, lr;
	s5 =	simm.s32 $0xFFFFFFFF;
	p2 =	slt.u32 s8, $0xFFFFF086  }
0x1c: {  	p1 =	slt.u32 s9, $0xF7A;
	s5 =	simm.s32 @!p2 $0x0  }
0x1d: {  	s5 =	simm.s32 @p1 $0x1;
	p0 =	seq.s32 s7, s2  }
0x1e: {  	s7 =	smul.u32 @!p0 $0xF7A, s2;
	p2 =	seq.s32 @!p0 s5, $0x0  }
0x1f: {  	s9 =	smul.u32 $0xF7A, s1;
	s8 =	simm.s32 @!p0 $0x1BF5;
	p2 =	por !p2, p0  }
0x20: {  	[sflag:s8] =	ssyncset.s32 @!p0 $0xFFFFF086;
	s6 =	sadd.s32 @!p0 s3, s7;
	s7 =	simm.s32 @!p0 $0x108  }
0x21: {  	s3 =	sadd.s32 s3, s9;
	s6 =	sadd.s32 @!p0 $0x88, s6;
	s7 =	simm.s32 @p2 $0x1082  }
0x22: {  	[simem:s7], [sflag:s8] =	dma.local @!p0 [hbm:s6], $0xF7A  }
0x23: {  	s9 =	sor.u32 $0xD0000000, s2;
	s6 =	simm.s32 $0x108;
	_ =	swait.ge @!p0 [sflag:s8], $0x0  }
0x24: {  	s3 =	sadd.s32 $0x88, s3;
	s6 =	simm.s32 @!p1 $0x1082;
	[sflag:s4] =	ssyncset.s32 $0xFFFFF086  }
0x25: {  	[simem:s6], [sflag:s4] =	dma.local [hbm:s3], $0xF7A  }
0x26: {  	[smem:$0x3F96] =	sst s1;
	(tag) =	ssettag s2;
	_ =	strace s9  }
0x27: {  	s1 =	sld [smem:$0x3FA6]  }
0x28: {  	s2 =	sld [smem:$0x3FA7]  }
0x29: {  	s4 =	sld [smem:$0x3FA9]  }
0x2a: {  	p0 =	seq.s32 s5, $0x0;
	s5 =	sld [smem:$0x3FAA]  }
0x2b: {  	s6 =	sld [smem:$0x3FAB]  }
0x2c: {  	s7 =	sld [smem:$0x3FAC]  }
0x2d: {  	s3 =	simm.s32 $0x108;
	s8 =	sld [smem:$0x3FAD]  }
0x2e: {  	s3 =	simm.s32 @!p0 $0x1082;
	s9 =	sld [smem:$0x3FAE]  }
0x2f: {  	lr =	sadd.s32 s0, s3;
	s0 =	sld [smem:$0x3FA5]  }
0x30: {  	s3 =	sld [smem:$0x3FA8]  }
0x31: {  	[smem:$0x3FB1] =	sst s10  }
0x32: {  	s10 =	sld [smem:$0x3FAF];
	_ =	sdelay $0x3  }
0x33: {  	p0 =	seq.s32 s10, $0x1;
	s10 =	sld [smem:$0x3FB1];
	_ =	sdelay $0x3  }
0x34: {  	[smem:$0x3FB1] =	sst s10  }
0x35: {  	s10 =	sld [smem:$0x3FB0];
	_ =	sdelay $0x3  }
0x36: {  	p1 =	seq.s32 s10, $0x1;
	s10 =	sld [smem:$0x3FB1];
	_ =	sdelay $0x3  }
0x37: {  	[smem:$0x3FB1] =	sst s10  }
0x38: {  	s10 =	sld [smem:$0x3FB2]  }
0x39: {  	_ = 	snop;
	(pc) =	sbr.ind lr, $3  }
0x3a: {  	_ = 	snop  }
0x3b: {  	_ = 	snop  }
0x3c: {  	p2 =	seq.s32 s10, $0x1;
	s10 =	sld [smem:$0x3FB1]  }
0x3d: {  	_ =	shalt  }
0x3e: {  	_ =	shalt  }
0x3f: {  	_ =	shalt  }
0x40: {  	_ =	shalt  }
0x41: {  	_ =	shalt  }
0x42: {  	_ =	shalt  }
0x43: {  	_ =	shalt  }
0x44: {  	_ =	shalt  }
0x45: {  	_ =	shalt  }
0x46: {  	_ =	shalt  }
0x47: {  	_ =	shalt  }
0x48: {  	_ =	shalt  }
0x49: {  	_ =	shalt  }
0x4a: {  	_ =	shalt  }
0x4b: {  	_ =	shalt  }
0x4c: {  	_ =	shalt  }
0x4d: {  	_ =	shalt  }
0x4e: {  	_ =	shalt  }
0x4f: {  	_ =	shalt  }
0x50: {  	_ =	shalt  }
0x51: {  	_ =	shalt  }
0x52: {  	_ =	shalt  }
0x53: {  	_ =	shalt  }
0x54: {  	_ =	shalt  }
0x55: {  	_ =	shalt  }
0x56: {  	_ =	shalt  }
0x57: {  	_ =	shalt  }
0x58: {  	_ =	shalt  }
0x59: {  	_ =	shalt  }
0x5a: {  	_ =	shalt  }
0x5b: {  	_ =	shalt  }
0x5c: {  	_ =	shalt  }
0x5d: {  	_ =	shalt  }
0x5e: {  	_ =	shalt  }
0x5f: {  	_ =	shalt  }
0x60: {  	_ =	shalt  }
0x61: {  	_ =	shalt  }
0x62: {  	_ =	shalt  }
0x63: {  	_ =	shalt  }
0x64: {  	_ =	shalt  }
0x65: {  	_ =	shalt  }
0x66: {  	_ =	shalt  }
0x67: {  	_ =	shalt  }
0x68: {  	_ =	shalt  }
0x69: {  	_ =	shalt  }
0x6a: {  	_ =	shalt  }
0x6b: {  	_ =	shalt  }
0x6c: {  	_ =	shalt  }
0x6d: {  	_ =	shalt  }
0x6e: {  	_ =	shalt  }
0x6f: {  	_ =	shalt  }
0x70: {  	_ =	shalt  }
0x71: {  	_ =	shalt  }
0x72: {  	_ =	shalt  }
0x73: {  	_ =	shalt  }
0x74: {  	_ =	shalt  }
0x75: {  	_ =	shalt  }
0x76: {  	_ =	shalt  }
0x77: {  	_ =	shalt  }
0x78: {  	_ =	shalt  }
0x79: {  	_ =	shalt  }
0x7a: {  	_ =	shalt  }
0x7b: {  	_ =	shalt  }
0x7c: {  	_ =	shalt  }
0x7d: {  	_ =	shalt  }
0x7e: {  	_ =	shalt  }
0x7f: {  	_ =	shalt  }
0x80: {  	_ =	shalt  }
0x81: {  	_ =	shalt  }
0x82: {  	_ =	shalt  }
0x83: {  	_ =	shalt  }
0x84: {  	_ =	shalt  }
0x85: {  	_ =	shalt  }
0x86: {  	_ =	shalt  }
0x87: {  	_ =	shalt  }
.Lfunc_end0:
.L_simem_size_0:
called_computation.1_lowered:
.L_overlay_start_0:
0x88: {  	s2 =	sld [smem:$0x3FD9]  }
0x89: {  	s3 =	sld [smem:$0x3FFE];
	_ =	sdelay $0x1  }
0x8a: {  	s1 =	srdreg.scid  }
0x8b: {  	s0 =	sand.u32 $0x1, s1  }
0x8c: {  	s16 =	sshll.u32 s0, $0xA;
	s2 =	sadd.s32 s3, s2  }
0x8d: {  	s2 =	sadd.s32 s2, s16  }
0x8e: {  	[smem:$0x3FBD] =	sst s2  }
0x8f: {  	_ = 	snop  }
0x90: {  	(tm) =	ssettm $0x1  }
0x91: {  	s17 =	sld [smem:$0x3FFB];
	_ =	sdelay $0x3  }
0x92: {  	_ =	strace s17  }
0x93: {  	s2 =	sld [smem:$0x3FFC];
	_ =	sdelay $0x3  }
0x94: {  	_ =	strace s2  }
0x95: {  	s2 =	sld [smem:$0x3FFD];
	_ =	sdelay $0x3  }
0x96: {  	_ =	strace s2  }
0x97: {  	_ =	strace $0x8FFFFFFF  }
0x98: {  	s18 =	sld [smem:$0x3FDB];
	_ =	sdelay $0x1  }
0x99: {  	s19 =	simm.s32 $_scs_section_size  }
0x9a: {  	s4 =	simm.s32 $_size__tile_overlayer_lowered;
	s5 =	simm.s32 $_tile_overlayer_lowered  }
0x9b: {  	s22 =	simm.s32 $0x1BFF;
	s21 =	sshll.u32 s5, $0x1;
	s2 =	sadd.s32 s19, s18  }
0x9c: {  	s6 =	simm.s32 $0x0;
	s20 =	sshll.u32 s4, $0x1;
	s4 =	sadd.s32 s21, s2  }
0x9d: {  	[timem:s6], [sflag:s22] =	dma.local [hbm:s4], s20  }
0x9e: {  	_ =	swait.ge [sflag:s22], s20  }
0x9f: {  	s3 =	ssub.s32 $0x0, s20;
	[sflag:s22] =	ssyncset.done $0x0  }
0xa0: {  	[sflag:s22] =	ssyncadd.s32 s3;
	_ =	sdelay $0x1  }
0xa1: {  	s23 =	simm.s32 $0x1B8B  }
0xa2: {  	_ =	swait.ge [sflag:s23], $0x1  }
0xa3: {  	[sflag:s23] =	ssyncset.done $0x0  }
0xa4: {  	s25 =	simm.s32 $0x1B8E;
	s24 =	sld [smem:$0x3FFE];
	[sflag:s23] =	ssyncadd.s32 $0xFFFFFFFF  }
0xa5: {  	s26 =	simm.s32 $execute0_lowered;
	[smem:$0x3FD2] =	sst s25  }
0xa6: {  	s4 =	sshll.u32 s26, $0x1;
	_ =	strace $0x80000049;
	[dreg:$0x1] =	wrdreg $0xFFFFFFFF  }
0xa7: {  	s28 =	simm.s32 $_size_execute0_lowered;
	s2 =	sadd.s32 s2, s4;
	[dreg:$0x0] =	wrdreg $0x0  }
0xa8: {  	s4 =	sshll.u32 s28, $0x1;
	[dreg:$0x2] =	wrdreg s2  }
0xa9: {  	[dreg:$0x3] =	wrdreg s4  }
0xaa: {  	[dreg:$0x4] =	wrdreg $0xC0  }
0xab: {  	_ =	task [dreg:s6], $0x5FFFF  }
0xac: {  	[dreg:$0x1] =	wrdreg $0xFFFFFFFF  }
0xad: {  	[dreg:$0x0] =	wrdreg $0x60  }
0xae: {  	[dreg:$0x2] =	wrdreg s24  }
0xaf: {  	[dreg:$0x3] =	wrdreg $0xFE600  }
0xb0: {  	[dreg:$0x4] =	wrdreg $0x9  }
0xb1: {  	_ =	task.clear_ibuf [dreg:s6], $0x5FFFF;
	_ =	strace $0x90000049  }
0xb2: {  	s29 =	simm.s32 $0x9;
	_ =	strace $0x8000004B  }
0xb3: {  	_ =	swait.ge [sflag:s29], $0x1  }
0xb4: {  	[sflag:s29] =	ssyncadd.s32 $0xFFFFFFFF  }
0xb5: {  	_ =	strace $0x9000004B  }
0xb6: {  	_ =	sfence  }
0xb7: {  	s30 =	sld [smem:$0x0];
	_ =	sdelay $0x2  }
0xb8: {  	s31 =	sshll.u32 s1, $0xD;
	s1 =	sshrl.u32 s1, $0x2  }
0xb9: {  	s3 =	sand.u32 $0x4000, s31;
	s1 =	sadd.s32 s1, s30  }
0xba: {  	s0 =	sor.u32 s3, s0;
	s1 =	sshll.u32 s1, $0x11  }
0xbb: {  	s0 =	sor.u32 s1, s0  }
0xbc: {  	s0 =	sadd.s32 $0x8F2B, s0  }
0xbd: {  	[sflag:s0] =	ssyncadd.remote.s32 $0x1  }
0xbe: {  	_ =	sfence.sel $0xFFFF  }
0xbf: {  	[dreg:$0x0] =	wrdreg $0xFFFFFFFF;
	(pc) =	sbr.abs _section_cstart, $3  }
0xc0: {  	[dreg:$0x1] =	wrdreg $0xFFFFFFFF  }
0xc1: {  	_ =	task.clear_ibuf [dreg:s6], $0x2FFFF;
	_ =	strace $0x9FFFFFFF  }
0xc2: {  	(tm) =	ssettm $0x7FFFFFFF  }
0xc3: {  	_ =	shalt  }
tec
execute0_lowered:
.L_overlay_start_1:
0x0: {  	(tag) =	ssettag $0x1  }
0x1: {  	s5 =	rddreg [dreg:$0x0]  }
0x2: {  	s2 =	rddreg [dreg:$0x1]  }
0x3: {  	s0 =	rddreg [dreg:$0x2];
	s4 =	srdreg.scid  }
0x4: {  	s1 =	stileid.u32;
	s3 =	simm.s32 $0x0;
	s11 =	simm.s32 $0x2  }
0x5: {  	s12 =	simm.s32 $0x2710;
	s13 =	simm.s32 $0x50;
	s14 =	simm.s32 $0x4E20  }
0x6: {  	s15 =	simm.s32 $0x1;
	s16 =	simm.s32 $0x0;
	s4 =	sand.u32 $0x1, s4  }
0x7: {  	s6 =	smul.u32 $0x9C40, s1;
	[smem:$0x7FF] =	sst s3;
	s7 =	sshll.u32 s4, $0x4  }
0x8: {  	s8 =	smul.u32 $0x9C400, s4;
	_ =	strace $0x8000004A;
	s9 =	ssub.s32 $0x2, s4  }
0x9: {  	s4 =	sadd.s32 $0x2A00, s5;
	s7 =	sor.u32 s1, s7;
	s10 =	sshrl.u32 s9, $0x1  }
0xa: {  	s7 =	smul.u32 $0x4E2, s7;
	s8 =	sadd.s32 s6, s8;
	s9 =	ssub.s32 s9, s10  }
0xb: {  	s10 =	simm.s32 $0x6220;
	s8 =	sshrl.u32 s8, $0x3;
	s9 =	smax.u32 s9, $0x1  }
0xc: {  	s7 =	sadd.s32 s7, s5;
	s8 =	sadd.s32 s8, s5;
	s5 =	sadd.s32 s6, s2  }
0xd: {  	v0 =	vimm.f32 $0.0e+00;
	s6 =	sadd.s32 $0x20200, s7;
	s7 =	sadd.s32 $0x16400, s7;
	s8 =	sadd.s32 $0x2A000, s8  }
.LBB2_1:
0xe: {  	s18 =	simm.s32 $0x100;
	s17 =	simm.s32 $0x0  }
.LBB2_2:
0xf: {  	p0 =	sne.s32 s18, $0x27000;
	[tilespmem:s17+$0x6250] =	vst v0;
	s19 =	smov.u32 s18;
	s18 =	sadd.s32 $0x100, s18  }
.Ltmp0:
0x10: {  	[tilespmem:s17+$0x6240] =	vst v0;
	(pc) =	sbr.rel @p0 .LBB2_2-.Ltmp0, $3  }
0x11: {  	[tilespmem:s17+$0x6220] =	vst v0  }
0x12: {  	[tilespmem:s17+$0x6230] =	vst v0;
	_ =	sdelay $0x1  }
0x13: {  	s17 =	sshra.s32 s19, $0x2  }
0x14: {  	[tilespmem:s17+$0x6250] =	vst v0  }
0x15: {  	[tilespmem:s17+$0x6240] =	vst v0  }
0x16: {  	[tilespmem:s17+$0x6220] =	vst v0  }
0x17: {  	[tilespmem:s17+$0x6230] =	vst v0  }
0x18: {  	[spmem:s5] =	stream.linear.scatter [tilespmem:s10], [sflag:$0x2], $0x9C40, $0x38;
	[tilespmem:$0x19AA0] =	vst v63  }
0x19: {  	_ =	swait.ge [sflag:s11], $0x9C40  }
0x1a: {  	[sflag:s11] =	ssyncset.done $0x0  }
0x1b: {  	s29 =	simm.s32 $0x0;
	[sflag:s11] =	ssyncadd.s32 $0xFFFF63C0  }
0x1c: {  	[tilespmem:s29], [sflag:$0x2] =	stream.linear.gather [hbm4b:s6+s29], $0x2710, $0x38;
	[tilespmem:$0x19AA0] =	vst v63  }
0x1d: {  	_ =	swait.ge [sflag:s11], $0x2710  }
0x1e: {  	[sflag:s11] =	ssyncset.done $0x0  }
0x1f: {  	[sflag:s11] =	ssyncadd.s32 $0xFFFFD8F0  }
0x20: {  	[tilespmem:s12], [sflag:$0x2] =	stream.linear.gather [hbm4b:s7+s29], $0x2710, $0x38;
	[tilespmem:$0x19AA0] =	vst v63  }
0x21: {  	_ =	swait.ge [sflag:s11], $0x2710  }
0x22: {  	[sflag:s11] =	ssyncset.done $0x0  }
0x23: {  	[sflag:s11] =	ssyncadd.s32 $0xFFFFD8F0  }
0x24: {  	s30 =	simm.s32 $0x0;
	[bflag:$0x0] =	sbarrier.arrive $0xFFFF  }
0x25: {  	[tilespmem:s14], [sflag:$0x1] =	stream.indirect.gather [hbm4b:s4+s13], $0x40, s30, s13, $0xb8;
	[tilespmem:$0x19AA0] =	vst v63  }
0x26: {  	_ =	swait.ge [sflag:s15], $0x1400  }
0x27: {  	[sflag:s15] =	ssyncset.done $0x0  }
0x28: {  	s31 =	simm.s32 $0x2710;
	[sflag:s15] =	ssyncadd.s32 $0xFFFFEC00  }
0x29: {  	[spmem:s2] =	stream.indirect.scatter.add.f32 [tilespmem:s14], [sflag:$0x2], $0x40, s31, s13, $0xb8;
	[tilespmem:$0x19AA0] =	vst v63  }
0x2a: {  	_ =	swait.ge [sflag:s11], $0x1400  }
0x2b: {  	s17 =	simm.s32 $0x140;
	s18 =	simm.s32 $0x280;
	[sflag:s11] =	ssyncset.done $0x0  }
.LBB2_4:
0x2c: {  	s19 =	sshra.s32 s17, $0x2  }
0x2d: {  	[sflag:s11] =	ssyncadd.s32 $0xFFFFEC00;
	s17 =	smov.u32 s18;
	s20 =	sadd.s32 $0x140, s18  }
0x2e: {  	[tilespmem:s14], [sflag:$0x1] =	stream.indirect.gather [hbm4b:s4+s13], $0x40, s19, s13, $0xb8;
	[tilespmem:$0x19AA0] =	vst v63  }
0x2f: {  	p0 =	sne.s32 s18, $0x9B00;
	_ =	swait.ge [sflag:s15], $0x1400  }
.Ltmp1:
0x30: {  	[sflag:s15] =	ssyncset.done $0x0;
	(pc) =	sbr.rel @p0 .LBB2_4-.Ltmp1, $4  }
0x31: {  	s18 =	sadd.s32 $0x2710, s19;
	[sflag:s15] =	ssyncadd.s32 $0xFFFFEC00  }
0x32: {  	[spmem:s2] =	stream.indirect.scatter.add.f32 [tilespmem:s14], [sflag:$0x2], $0x40, s18, s13, $0xb8;
	[tilespmem:$0x19AA0] =	vst v63  }
0x33: {  	_ =	swait.ge [sflag:s11], $0x1400  }
0x34: {  	s18 =	smov.u32 s20;
	[sflag:s11] =	ssyncset.done $0x0  }
0x35: {  	s17 =	sshra.s32 s17, $0x2;
	[sflag:s11] =	ssyncadd.s32 $0xFFFFEC00  }
0x36: {  	[tilespmem:s14], [sflag:$0x1] =	stream.indirect.gather [hbm4b:s4+s13], $0x40, s17, s13, $0xb8;
	[tilespmem:$0x19AA0] =	vst v63  }
0x37: {  	_ =	swait.ge [sflag:s15], $0x1400  }
0x38: {  	[sflag:s15] =	ssyncset.done $0x0  }
0x39: {  	s17 =	sadd.s32 $0x2710, s17;
	[sflag:s15] =	ssyncadd.s32 $0xFFFFEC00  }
0x3a: {  	[spmem:s2] =	stream.indirect.scatter.add.f32 [tilespmem:s14], [sflag:$0x2], $0x40, s17, s13, $0xb8;
	[tilespmem:$0x19AA0] =	vst v63  }
0x3b: {  	_ =	swait.ge [sflag:s11], $0x1400  }
0x3c: {  	[sflag:s11] =	ssyncset.done $0x0  }
0x3d: {  	[sflag:s11] =	ssyncadd.s32 $0xFFFFEC00  }
0x3e: {  	[bflag:$0x0] =	sbarrier.arrive $0xFFFF  }
0x3f: {  	[tilespmem:s10], [sflag:$0x2] =	stream.linear.gather [spmem:s5], $0x9C40, $0x38;
	[tilespmem:$0x19AA0] =	vst v63  }
0x40: {  	s16 =	sadd.s32 $0x1, s16;
	_ =	swait.ge [sflag:s11], $0x9C40  }
0x41: {  	p0 =	sne.s32 s16, s9;
	[sflag:s11] =	ssyncset.done $0x0  }
.Ltmp2:
0x42: {  	[sflag:s11] =	ssyncadd.s32 $0xFFFF63C0;
	(pc) =	sbr.rel @p0 .LBB2_1-.Ltmp2, $4  }
0x43: {  	[hbm4b:s8+s3] =	stream.linear.scatter [tilespmem:s10], [sflag:$0x2], $0x9C40, $0x38;
	[tilespmem:$0x19AA0] =	vst v63  }
0x44: {  	_ =	swait.ge [sflag:s11], $0x9C40  }
0x45: {  	[sflag:s11] =	ssyncset.done $0x0  }
0x46: {  	[sflag:s11] =	ssyncadd.s32 $0xFFFF63C0  }
0x47: {  	_ =	sfence.sel $0x180000  }
0x48: {  	[bflag:$0x0] =	sbarrier.arrive $0xFFFF  }
0x49: {  	p0 =	sne.s32 s1, $0x0;
	_ =	strace $0x9000004A  }
0x4a: {  	s0 =	sadd.s32 @!p0 $0x100000, s0;
	[bflag:$0x2] =	sbarrier.arrive $0xFFFF  }
0x4b: {  	[sflag:s0] =	ssyncadd.tile.s32 @!p0 $0x1;
	_ =	shalt  }
.Lfunc_end2:
_tile_overlayer_lowered:
.L_overlay_start_2:
0x4c: {  	(tag) =	ssettag $0x2  }
0x4d: {  	s0 =	rddreg [dreg:$0x0];
	s2 =	stileid.u32  }
0x4e: {  	s1 =	rddreg [dreg:$0x1];
	p0 =	sne.s32 s2, $0x0  }
0x4f: {  	s3 =	rddreg [dreg:$0x2];
	[bflag:$0x3] =	sbarrier.arrive $0xFFFF;
	s2 =	simm.s32 @!p0 $0x1C02  }
0x50: {  	[timem:s3], [sflag:s2] =	dma.local @!p0 [hbm:s0], s1  }
0x51: {  	s0 =	simm.s32 @!p0 $0x2  }
0x52: {  	_ =	swait.ge @!p0 [sflag:s0], s1  }
0x53: {  	s1 =	ssub.s32 @!p0 $0x0, s1;
	[sflag:s0] =	ssyncset.done @!p0 $0x0  }
0x54: {  	[sflag:s0] =	ssyncadd.s32 @!p0 s1  }
0x55: {  	[bflag:$0x3] =	sbarrier.arrive $0xFFFF  }
0x56: {  	_ =	shalt  }

// kernel: kernel.17.cloned.1.call-start
scs
__scs_entry_jumppad:
0x0: {  	(pc) =	sbr.rel $0x88, $3  }
0x1: {  	(tag) =	ssettag $0x0;
	lr =	simm.s32 $0x1  }
0x2: {  	[smem:$0x3F96] =	sst lr;
	_ =	strace $0xD0000000  }
0x3: {  	_ = 	snop  }
0x4: {  	_ = 	snop  }
0x5: {  	_ = 	snop  }
0x6: {  	_ = 	snop  }
0x7: {  	_ = 	snop  }
__scs_overlays_trampoline_lowered:
0x8: {  	[smem:$0x3FA5] =	sst s0  }
0x9: {  	[smem:$0x3FA6] =	sst s1  }
0xa: {  	[smem:$0x3FA7] =	sst s2  }
0xb: {  	[smem:$0x3FA8] =	sst s3  }
0xc: {  	[smem:$0x3FA9] =	sst s4  }
0xd: {  	[smem:$0x3FAA] =	sst s5  }
0xe: {  	[smem:$0x3FAB] =	sst s6  }
0xf: {  	[smem:$0x3FAC] =	sst s7  }
0x10: {  	[smem:$0x3FAD] =	sst s8  }
0x11: {  	[smem:$0x3FAE] =	sst s9;
	s0 =	simm.s32 @!p0 $0x0  }
0x12: {  	s1 =	sld [smem:$0x3F94];
	s0 =	simm.s32 @p0 $0x1  }
0x13: {  	[smem:$0x3FAF] =	sst s0;
	s0 =	simm.s32 @!p1 $0x0  }
0x14: {  	s2 =	sld [smem:$0x3F93];
	s0 =	simm.s32 @p1 $0x1  }
0x15: {  	[smem:$0x3FB0] =	sst s0;
	s0 =	simm.s32 @!p2 $0x0  }
0x16: {  	s3 =	sld [smem:$0x3FDB];
	s0 =	simm.s32 @p2 $0x1  }
0x17: {  	s4 =	simm.s32 $0x1BF5;
	[smem:$0x3FB2] =	sst s0  }
0x18: {  	s0 =	sld [smem:$0x3F95];
	_ =	swait.ge [sflag:s4], $0x0  }
0x19: {  	s7 =	sld [smem:$0x3F96]  }
0x1a: {  	s8 =	sadd.s32 $0xFFFFE003, lr  }
0x1b: {  	s9 =	sadd.s32 $0xFFFFFEF7, lr;
	s5 =	simm.s32 $0xFFFFFFFF;
	p2 =	slt.u32 s8, $0xFFFFF086  }
0x1c: {  	p1 =	slt.u32 s9, $0xF7A;
	s5 =	simm.s32 @!p2 $0x0  }
0x1d: {  	s5 =	simm.s32 @p1 $0x1;
	p0 =	seq.s32 s7, s2  }
0x1e: {  	s7 =	smul.u32 @!p0 $0xF7A, s2;
	p2 =	seq.s32 @!p0 s5, $0x0  }
0x1f: {  	s9 =	smul.u32 $0xF7A, s1;
	s8 =	simm.s32 @!p0 $0x1BF5;
	p2 =	por !p2, p0  }
0x20: {  	[sflag:s8] =	ssyncset.s32 @!p0 $0xFFFFF086;
	s6 =	sadd.s32 @!p0 s3, s7;
	s7 =	simm.s32 @!p0 $0x108  }
0x21: {  	s3 =	sadd.s32 s3, s9;
	s6 =	sadd.s32 @!p0 $0x88, s6;
	s7 =	simm.s32 @p2 $0x1082  }
0x22: {  	[simem:s7], [sflag:s8] =	dma.local @!p0 [hbm:s6], $0xF7A  }
0x23: {  	s9 =	sor.u32 $0xD0000000, s2;
	s6 =	simm.s32 $0x108;
	_ =	swait.ge @!p0 [sflag:s8], $0x0  }
0x24: {  	s3 =	sadd.s32 $0x88, s3;
	s6 =	simm.s32 @!p1 $0x1082;
	[sflag:s4] =	ssyncset.s32 $0xFFFFF086  }
0x25: {  	[simem:s6], [sflag:s4] =	dma.local [hbm:s3], $0xF7A  }
0x26: {  	[smem:$0x3F96] =	sst s1;
	(tag) =	ssettag s2;
	_ =	strace s9  }
0x27: {  	s1 =	sld [smem:$0x3FA6]  }
0x28: {  	s2 =	sld [smem:$0x3FA7]  }
0x29: {  	s4 =	sld [smem:$0x3FA9]  }
0x2a: {  	p0 =	seq.s32 s5, $0x0;
	s5 =	sld [smem:$0x3FAA]  }
0x2b: {  	s6 =	sld [smem:$0x3FAB]  }
0x2c: {  	s7 =	sld [smem:$0x3FAC]  }
0x2d: {  	s3 =	simm.s32 $0x108;
	s8 =	sld [smem:$0x3FAD]  }
0x2e: {  	s3 =	simm.s32 @!p0 $0x1082;
	s9 =	sld [smem:$0x3FAE]  }
0x2f: {  	lr =	sadd.s32 s0, s3;
	s0 =	sld [smem:$0x3FA5]  }
0x30: {  	s3 =	sld [smem:$0x3FA8]  }
0x31: {  	[smem:$0x3FB1] =	sst s10  }
0x32: {  	s10 =	sld [smem:$0x3FAF];
	_ =	sdelay $0x3  }
0x33: {  	p0 =	seq.s32 s10, $0x1;
	s10 =	sld [smem:$0x3FB1];
	_ =	sdelay $0x3  }
0x34: {  	[smem:$0x3FB1] =	sst s10  }
0x35: {  	s10 =	sld [smem:$0x3FB0];
	_ =	sdelay $0x3  }
0x36: {  	p1 =	seq.s32 s10, $0x1;
	s10 =	sld [smem:$0x3FB1];
	_ =	sdelay $0x3  }
0x37: {  	[smem:$0x3FB1] =	sst s10  }
0x38: {  	s10 =	sld [smem:$0x3FB2]  }
0x39: {  	_ = 	snop;
	(pc) =	sbr.ind lr, $3  }
0x3a: {  	_ = 	snop  }
0x3b: {  	_ = 	snop  }
0x3c: {  	p2 =	seq.s32 s10, $0x1;
	s10 =	sld [smem:$0x3FB1]  }
0x3d: {  	_ =	shalt  }
0x3e: {  	_ =	shalt  }
0x3f: {  	_ =	shalt  }
0x40: {  	_ =	shalt  }
0x41: {  	_ =	shalt  }
0x42: {  	_ =	shalt  }
0x43: {  	_ =	shalt  }
0x44: {  	_ =	shalt  }
0x45: {  	_ =	shalt  }
0x46: {  	_ =	shalt  }
0x47: {  	_ =	shalt  }
0x48: {  	_ =	shalt  }
0x49: {  	_ =	shalt  }
0x4a: {  	_ =	shalt  }
0x4b: {  	_ =	shalt  }
0x4c: {  	_ =	shalt  }
0x4d: {  	_ =	shalt  }
0x4e: {  	_ =	shalt  }
0x4f: {  	_ =	shalt  }
0x50: {  	_ =	shalt  }
0x51: {  	_ =	shalt  }
0x52: {  	_ =	shalt  }
0x53: {  	_ =	shalt  }
0x54: {  	_ =	shalt  }
0x55: {  	_ =	shalt  }
0x56: {  	_ =	shalt  }
0x57: {  	_ =	shalt  }
0x58: {  	_ =	shalt  }
0x59: {  	_ =	shalt  }
0x5a: {  	_ =	shalt  }
0x5b: {  	_ =	shalt  }
0x5c: {  	_ =	shalt  }
0x5d: {  	_ =	shalt  }
0x5e: {  	_ =	shalt  }
0x5f: {  	_ =	shalt  }
0x60: {  	_ =	shalt  }
0x61: {  	_ =	shalt  }
0x62: {  	_ =	shalt  }
0x63: {  	_ =	shalt  }
0x64: {  	_ =	shalt  }
0x65: {  	_ =	shalt  }
0x66: {  	_ =	shalt  }
0x67: {  	_ =	shalt  }
0x68: {  	_ =	shalt  }
0x69: {  	_ =	shalt  }
0x6a: {  	_ =	shalt  }
0x6b: {  	_ =	shalt  }
0x6c: {  	_ =	shalt  }
0x6d: {  	_ =	shalt  }
0x6e: {  	_ =	shalt  }
0x6f: {  	_ =	shalt  }
0x70: {  	_ =	shalt  }
0x71: {  	_ =	shalt  }
0x72: {  	_ =	shalt  }
0x73: {  	_ =	shalt  }
0x74: {  	_ =	shalt  }
0x75: {  	_ =	shalt  }
0x76: {  	_ =	shalt  }
0x77: {  	_ =	shalt  }
0x78: {  	_ =	shalt  }
0x79: {  	_ =	shalt  }
0x7a: {  	_ =	shalt  }
0x7b: {  	_ =	shalt  }
0x7c: {  	_ =	shalt  }
0x7d: {  	_ =	shalt  }
0x7e: {  	_ =	shalt  }
0x7f: {  	_ =	shalt  }
0x80: {  	_ =	shalt  }
0x81: {  	_ =	shalt  }
0x82: {  	_ =	shalt  }
0x83: {  	_ =	shalt  }
0x84: {  	_ =	shalt  }
0x85: {  	_ =	shalt  }
0x86: {  	_ =	shalt  }
0x87: {  	_ =	shalt  }
.Lfunc_end0:
.L_simem_size_0:
called_computation.2_lowered:
.L_overlay_start_0:
0x88: {  	s2 =	sld [smem:$0x3FD9]  }
0x89: {  	s3 =	sld [smem:$0x3FFE];
	_ =	sdelay $0x1  }
0x8a: {  	s1 =	srdreg.scid  }
0x8b: {  	s0 =	sand.u32 $0x1, s1  }
0x8c: {  	s16 =	sshll.u32 s0, $0xA;
	s2 =	sadd.s32 s3, s2  }
0x8d: {  	s2 =	sadd.s32 s2, s16  }
0x8e: {  	[smem:$0x3FBD] =	sst s2  }
0x8f: {  	_ = 	snop  }
0x90: {  	(tm) =	ssettm $0x1  }
0x91: {  	s17 =	sld [smem:$0x3FFB];
	_ =	sdelay $0x3  }
0x92: {  	_ =	strace s17  }
0x93: {  	s2 =	sld [smem:$0x3FFC];
	_ =	sdelay $0x3  }
0x94: {  	_ =	strace s2  }
0x95: {  	s2 =	sld [smem:$0x3FFD];
	_ =	sdelay $0x3  }
0x96: {  	_ =	strace s2  }
0x97: {  	_ =	strace $0x8FFFFFFF  }
0x98: {  	s18 =	sld [smem:$0x3FDB];
	_ =	sdelay $0x1  }
0x99: {  	s19 =	simm.s32 $_scs_section_size  }
0x9a: {  	s4 =	simm.s32 $_size__tile_overlayer_lowered;
	s5 =	simm.s32 $_tile_overlayer_lowered  }
0x9b: {  	s22 =	simm.s32 $0x1BFF;
	s21 =	sshll.u32 s5, $0x1;
	s2 =	sadd.s32 s19, s18  }
0x9c: {  	s6 =	simm.s32 $0x0;
	s20 =	sshll.u32 s4, $0x1;
	s4 =	sadd.s32 s21, s2  }
0x9d: {  	[timem:s6], [sflag:s22] =	dma.local [hbm:s4], s20  }
0x9e: {  	_ =	swait.ge [sflag:s22], s20  }
0x9f: {  	s3 =	ssub.s32 $0x0, s20;
	[sflag:s22] =	ssyncset.done $0x0  }
0xa0: {  	[sflag:s22] =	ssyncadd.s32 s3;
	_ =	sdelay $0x1  }
0xa1: {  	s23 =	simm.s32 $0x1B8B  }
0xa2: {  	_ =	swait.ge [sflag:s23], $0x1  }
0xa3: {  	[sflag:s23] =	ssyncset.done $0x0  }
0xa4: {  	s25 =	simm.s32 $0x1B8E;
	s24 =	sld [smem:$0x3FFE];
	[sflag:s23] =	ssyncadd.s32 $0xFFFFFFFF  }
0xa5: {  	s26 =	simm.s32 $execute0_lowered;
	[smem:$0x3FD2] =	sst s25  }
0xa6: {  	s4 =	sshll.u32 s26, $0x1;
	_ =	strace $0x8000004C;
	[dreg:$0x1] =	wrdreg $0xFFFFFFFF  }
0xa7: {  	s28 =	simm.s32 $_size_execute0_lowered;
	s2 =	sadd.s32 s2, s4;
	[dreg:$0x0] =	wrdreg $0x0  }
0xa8: {  	s4 =	sshll.u32 s28, $0x1;
	[dreg:$0x2] =	wrdreg s2  }
0xa9: {  	[dreg:$0x3] =	wrdreg s4  }
0xaa: {  	[dreg:$0x4] =	wrdreg $0xC0  }
0xab: {  	_ =	task [dreg:s6], $0x5FFFF  }
0xac: {  	[dreg:$0x1] =	wrdreg $0xFFFFFFFF  }
0xad: {  	[dreg:$0x0] =	wrdreg $0x60  }
0xae: {  	[dreg:$0x2] =	wrdreg s24  }
0xaf: {  	[dreg:$0x3] =	wrdreg $0xFE600  }
0xb0: {  	[dreg:$0x4] =	wrdreg $0x9  }
0xb1: {  	_ =	task.clear_ibuf [dreg:s6], $0x5FFFF;
	_ =	strace $0x9000004C  }
0xb2: {  	s29 =	simm.s32 $0x9;
	_ =	strace $0x8000004E  }
0xb3: {  	_ =	swait.ge [sflag:s29], $0x1  }
0xb4: {  	[sflag:s29] =	ssyncadd.s32 $0xFFFFFFFF  }
0xb5: {  	_ =	strace $0x9000004E  }
0xb6: {  	_ =	sfence  }
0xb7: {  	s30 =	sld [smem:$0x0];
	_ =	sdelay $0x2  }
0xb8: {  	s31 =	sshll.u32 s1, $0xD;
	s1 =	sshrl.u32 s1, $0x2  }
0xb9: {  	s3 =	sand.u32 $0x4000, s31;
	s1 =	sadd.s32 s1, s30  }
0xba: {  	s0 =	sor.u32 s3, s0;
	s1 =	sshll.u32 s1, $0x11  }
0xbb: {  	s0 =	sor.u32 s1, s0  }
0xbc: {  	s0 =	sadd.s32 $0x8F2B, s0  }
0xbd: {  	[sflag:s0] =	ssyncadd.remote.s32 $0x1  }
0xbe: {  	_ =	sfence.sel $0xFFFF  }
0xbf: {  	[dreg:$0x0] =	wrdreg $0xFFFFFFFF;
	(pc) =	sbr.abs _section_cstart, $3  }
0xc0: {  	[dreg:$0x1] =	wrdreg $0xFFFFFFFF  }
0xc1: {  	_ =	task.clear_ibuf [dreg:s6], $0x2FFFF;
	_ =	strace $0x9FFFFFFF  }
0xc2: {  	(tm) =	ssettm $0x7FFFFFFF  }
0xc3: {  	_ =	shalt  }
tec
execute0_lowered:
.L_overlay_start_1:
0x0: {  	(tag) =	ssettag $0x1  }
0x1: {  	s5 =	rddreg [dreg:$0x0]  }
0x2: {  	s2 =	rddreg [dreg:$0x1]  }
0x3: {  	s0 =	rddreg [dreg:$0x2];
	s4 =	srdreg.scid  }
0x4: {  	s1 =	stileid.u32;
	s3 =	simm.s32 $0x0;
	s11 =	simm.s32 $0x2  }
0x5: {  	s12 =	simm.s32 $0x2710;
	s13 =	simm.s32 $0x50;
	s14 =	simm.s32 $0x4E20  }
0x6: {  	s15 =	simm.s32 $0x1;
	s16 =	simm.s32 $0x0;
	s4 =	sand.u32 $0x1, s4  }
0x7: {  	s6 =	smul.u32 $0x9C40, s1;
	[smem:$0x7FF] =	sst s3;
	s7 =	sshll.u32 s4, $0x4  }
0x8: {  	s8 =	smul.u32 $0x9C400, s4;
	_ =	strace $0x8000004D;
	s9 =	ssub.s32 $0x2, s4  }
0x9: {  	s4 =	sadd.s32 $0x2A00, s5;
	s7 =	sor.u32 s1, s7;
	s10 =	sshrl.u32 s9, $0x1  }
0xa: {  	s7 =	smul.u32 $0x4E2, s7;
	s8 =	sadd.s32 s6, s8;
	s9 =	ssub.s32 s9, s10  }
0xb: {  	s10 =	simm.s32 $0x6220;
	s8 =	sshrl.u32 s8, $0x3;
	s9 =	smax.u32 s9, $0x1  }
0xc: {  	s7 =	sadd.s32 s7, s5;
	s8 =	sadd.s32 s8, s5;
	s5 =	sadd.s32 s6, s2  }
0xd: {  	v0 =	vimm.f32 $0.0e+00;
	s6 =	sadd.s32 $0x20200, s7;
	s7 =	sadd.s32 $0x16400, s7;
	s8 =	sadd.s32 $0x2A000, s8  }
.LBB2_1:
0xe: {  	s18 =	simm.s32 $0x100;
	s17 =	simm.s32 $0x0  }
.LBB2_2:
0xf: {  	p0 =	sne.s32 s18, $0x27000;
	[tilespmem:s17+$0x6250] =	vst v0;
	s19 =	smov.u32 s18;
	s18 =	sadd.s32 $0x100, s18  }
.Ltmp0:
0x10: {  	[tilespmem:s17+$0x6240] =	vst v0;
	(pc) =	sbr.rel @p0 .LBB2_2-.Ltmp0, $3  }
0x11: {  	[tilespmem:s17+$0x6220] =	vst v0  }
0x12: {  	[tilespmem:s17+$0x6230] =	vst v0;
	_ =	sdelay $0x1  }
0x13: {  	s17 =	sshra.s32 s19, $0x2  }
0x14: {  	[tilespmem:s17+$0x6250] =	vst v0  }
0x15: {  	[tilespmem:s17+$0x6240] =	vst v0  }
0x16: {  	[tilespmem:s17+$0x6220] =	vst v0  }
0x17: {  	[tilespmem:s17+$0x6230] =	vst v0  }
0x18: {  	[spmem:s5] =	stream.linear.scatter [tilespmem:s10], [sflag:$0x2], $0x9C40, $0x38;
	[tilespmem:$0x19AA0] =	vst v63  }
0x19: {  	_ =	swait.ge [sflag:s11], $0x9C40  }
0x1a: {  	[sflag:s11] =	ssyncset.done $0x0  }
0x1b: {  	s29 =	simm.s32 $0x0;
	[sflag:s11] =	ssyncadd.s32 $0xFFFF63C0  }
0x1c: {  	[tilespmem:s29], [sflag:$0x2] =	stream.linear.gather [hbm4b:s6+s29], $0x2710, $0x38;
	[tilespmem:$0x19AA0] =	vst v63  }
0x1d: {  	_ =	swait.ge [sflag:s11], $0x2710  }
0x1e: {  	[sflag:s11] =	ssyncset.done $0x0  }
0x1f: {  	[sflag:s11] =	ssyncadd.s32 $0xFFFFD8F0  }
0x20: {  	[tilespmem:s12], [sflag:$0x2] =	stream.linear.gather [hbm4b:s7+s29], $0x2710, $0x38;
	[tilespmem:$0x19AA0] =	vst v63  }
0x21: {  	_ =	swait.ge [sflag:s11], $0x2710  }
0x22: {  	[sflag:s11] =	ssyncset.done $0x0  }
0x23: {  	[sflag:s11] =	ssyncadd.s32 $0xFFFFD8F0  }
0x24: {  	s30 =	simm.s32 $0x0;
	[bflag:$0x0] =	sbarrier.arrive $0xFFFF  }
0x25: {  	[tilespmem:s14], [sflag:$0x1] =	stream.indirect.gather [hbm4b:s4+s13], $0x40, s30, s13, $0xb8;
	[tilespmem:$0x19AA0] =	vst v63  }
0x26: {  	_ =	swait.ge [sflag:s15], $0x1400  }
0x27: {  	[sflag:s15] =	ssyncset.done $0x0  }
0x28: {  	s31 =	simm.s32 $0x2710;
	[sflag:s15] =	ssyncadd.s32 $0xFFFFEC00  }
0x29: {  	[spmem:s2] =	stream.indirect.scatter.add.f32 [tilespmem:s14], [sflag:$0x2], $0x40, s31, s13, $0xb8;
	[tilespmem:$0x19AA0] =	vst v63  }
0x2a: {  	_ =	swait.ge [sflag:s11], $0x1400  }
0x2b: {  	s17 =	simm.s32 $0x140;
	s18 =	simm.s32 $0x280;
	[sflag:s11] =	ssyncset.done $0x0  }
.LBB2_4:
0x2c: {  	s19 =	sshra.s32 s17, $0x2  }
0x2d: {  	[sflag:s11] =	ssyncadd.s32 $0xFFFFEC00;
	s17 =	smov.u32 s18;
	s20 =	sadd.s32 $0x140, s18  }
0x2e: {  	[tilespmem:s14], [sflag:$0x1] =	stream.indirect.gather [hbm4b:s4+s13], $0x40, s19, s13, $0xb8;
	[tilespmem:$0x19AA0] =	vst v63  }
0x2f: {  	p0 =	sne.s32 s18, $0x9B00;
	_ =	swait.ge [sflag:s15], $0x1400  }
.Ltmp1:
0x30: {  	[sflag:s15] =	ssyncset.done $0x0;
	(pc) =	sbr.rel @p0 .LBB2_4-.Ltmp1, $4  }
0x31: {  	s18 =	sadd.s32 $0x2710, s19;
	[sflag:s15] =	ssyncadd.s32 $0xFFFFEC00  }
0x32: {  	[spmem:s2] =	stream.indirect.scatter.add.f32 [tilespmem:s14], [sflag:$0x2], $0x40, s18, s13, $0xb8;
	[tilespmem:$0x19AA0] =	vst v63  }
0x33: {  	_ =	swait.ge [sflag:s11], $0x1400  }
0x34: {  	s18 =	smov.u32 s20;
	[sflag:s11] =	ssyncset.done $0x0  }
0x35: {  	s17 =	sshra.s32 s17, $0x2;
	[sflag:s11] =	ssyncadd.s32 $0xFFFFEC00  }
0x36: {  	[tilespmem:s14], [sflag:$0x1] =	stream.indirect.gather [hbm4b:s4+s13], $0x40, s17, s13, $0xb8;
	[tilespmem:$0x19AA0] =	vst v63  }
0x37: {  	_ =	swait.ge [sflag:s15], $0x1400  }
0x38: {  	[sflag:s15] =	ssyncset.done $0x0  }
0x39: {  	s17 =	sadd.s32 $0x2710, s17;
	[sflag:s15] =	ssyncadd.s32 $0xFFFFEC00  }
0x3a: {  	[spmem:s2] =	stream.indirect.scatter.add.f32 [tilespmem:s14], [sflag:$0x2], $0x40, s17, s13, $0xb8;
	[tilespmem:$0x19AA0] =	vst v63  }
0x3b: {  	_ =	swait.ge [sflag:s11], $0x1400  }
0x3c: {  	[sflag:s11] =	ssyncset.done $0x0  }
0x3d: {  	[sflag:s11] =	ssyncadd.s32 $0xFFFFEC00  }
0x3e: {  	[bflag:$0x0] =	sbarrier.arrive $0xFFFF  }
0x3f: {  	[tilespmem:s10], [sflag:$0x2] =	stream.linear.gather [spmem:s5], $0x9C40, $0x38;
	[tilespmem:$0x19AA0] =	vst v63  }
0x40: {  	s16 =	sadd.s32 $0x1, s16;
	_ =	swait.ge [sflag:s11], $0x9C40  }
0x41: {  	p0 =	sne.s32 s16, s9;
	[sflag:s11] =	ssyncset.done $0x0  }
.Ltmp2:
0x42: {  	[sflag:s11] =	ssyncadd.s32 $0xFFFF63C0;
	(pc) =	sbr.rel @p0 .LBB2_1-.Ltmp2, $4  }
0x43: {  	[hbm4b:s8+s3] =	stream.linear.scatter [tilespmem:s10], [sflag:$0x2], $0x9C40, $0x38;
	[tilespmem:$0x19AA0] =	vst v63  }
0x44: {  	_ =	swait.ge [sflag:s11], $0x9C40  }
0x45: {  	[sflag:s11] =	ssyncset.done $0x0  }
0x46: {  	[sflag:s11] =	ssyncadd.s32 $0xFFFF63C0  }
0x47: {  	_ =	sfence.sel $0x180000  }
0x48: {  	[bflag:$0x0] =	sbarrier.arrive $0xFFFF  }
0x49: {  	p0 =	sne.s32 s1, $0x0;
	_ =	strace $0x9000004D  }
0x4a: {  	s0 =	sadd.s32 @!p0 $0x100000, s0;
	[bflag:$0x2] =	sbarrier.arrive $0xFFFF  }
0x4b: {  	[sflag:s0] =	ssyncadd.tile.s32 @!p0 $0x1;
	_ =	shalt  }
.Lfunc_end2:
_tile_overlayer_lowered:
.L_overlay_start_2:
0x4c: {  	(tag) =	ssettag $0x2  }
0x4d: {  	s0 =	rddreg [dreg:$0x0];
	s2 =	stileid.u32  }
0x4e: {  	s1 =	rddreg [dreg:$0x1];
	p0 =	sne.s32 s2, $0x0  }
0x4f: {  	s3 =	rddreg [dreg:$0x2];
	[bflag:$0x3] =	sbarrier.arrive $0xFFFF;
	s2 =	simm.s32 @!p0 $0x1C02  }
0x50: {  	[timem:s3], [sflag:s2] =	dma.local @!p0 [hbm:s0], s1  }
0x51: {  	s0 =	simm.s32 @!p0 $0x2  }
0x52: {  	_ =	swait.ge @!p0 [sflag:s0], s1  }
0x53: {  	s1 =	ssub.s32 @!p0 $0x0, s1;
	[sflag:s0] =	ssyncset.done @!p0 $0x0  }
0x54: {  	[sflag:s0] =	ssyncadd.s32 @!p0 s1  }
0x55: {  	[bflag:$0x3] =	sbarrier.arrive $0xFFFF  }
0x56: {  	_ =	shalt  }

// kernel: kernel.20.cloned.1.call-start
scs
__scs_entry_jumppad:
0x0: {  	(pc) =	sbr.rel $0x88, $3  }
0x1: {  	(tag) =	ssettag $0x0;
	lr =	simm.s32 $0x1  }
0x2: {  	[smem:$0x3F96] =	sst lr;
	_ =	strace $0xD0000000  }
0x3: {  	_ = 	snop  }
0x4: {  	_ = 	snop  }
0x5: {  	_ = 	snop  }
0x6: {  	_ = 	snop  }
0x7: {  	_ = 	snop  }
__scs_overlays_trampoline_lowered:
0x8: {  	[smem:$0x3FA5] =	sst s0  }
0x9: {  	[smem:$0x3FA6] =	sst s1  }
0xa: {  	[smem:$0x3FA7] =	sst s2  }
0xb: {  	[smem:$0x3FA8] =	sst s3  }
0xc: {  	[smem:$0x3FA9] =	sst s4  }
0xd: {  	[smem:$0x3FAA] =	sst s5  }
0xe: {  	[smem:$0x3FAB] =	sst s6  }
0xf: {  	[smem:$0x3FAC] =	sst s7  }
0x10: {  	[smem:$0x3FAD] =	sst s8  }
0x11: {  	[smem:$0x3FAE] =	sst s9;
	s0 =	simm.s32 @!p0 $0x0  }
0x12: {  	s1 =	sld [smem:$0x3F94];
	s0 =	simm.s32 @p0 $0x1  }
0x13: {  	[smem:$0x3FAF] =	sst s0;
	s0 =	simm.s32 @!p1 $0x0  }
0x14: {  	s2 =	sld [smem:$0x3F93];
	s0 =	simm.s32 @p1 $0x1  }
0x15: {  	[smem:$0x3FB0] =	sst s0;
	s0 =	simm.s32 @!p2 $0x0  }
0x16: {  	s3 =	sld [smem:$0x3FDB];
	s0 =	simm.s32 @p2 $0x1  }
0x17: {  	s4 =	simm.s32 $0x1BF5;
	[smem:$0x3FB2] =	sst s0  }
0x18: {  	s0 =	sld [smem:$0x3F95];
	_ =	swait.ge [sflag:s4], $0x0  }
0x19: {  	s7 =	sld [smem:$0x3F96]  }
0x1a: {  	s8 =	sadd.s32 $0xFFFFE003, lr  }
0x1b: {  	s9 =	sadd.s32 $0xFFFFFEF7, lr;
	s5 =	simm.s32 $0xFFFFFFFF;
	p2 =	slt.u32 s8, $0xFFFFF086  }
0x1c: {  	p1 =	slt.u32 s9, $0xF7A;
	s5 =	simm.s32 @!p2 $0x0  }
0x1d: {  	s5 =	simm.s32 @p1 $0x1;
	p0 =	seq.s32 s7, s2  }
0x1e: {  	s7 =	smul.u32 @!p0 $0xF7A, s2;
	p2 =	seq.s32 @!p0 s5, $0x0  }
0x1f: {  	s9 =	smul.u32 $0xF7A, s1;
	s8 =	simm.s32 @!p0 $0x1BF5;
	p2 =	por !p2, p0  }
0x20: {  	[sflag:s8] =	ssyncset.s32 @!p0 $0xFFFFF086;
	s6 =	sadd.s32 @!p0 s3, s7;
	s7 =	simm.s32 @!p0 $0x108  }
0x21: {  	s3 =	sadd.s32 s3, s9;
	s6 =	sadd.s32 @!p0 $0x88, s6;
	s7 =	simm.s32 @p2 $0x1082  }
0x22: {  	[simem:s7], [sflag:s8] =	dma.local @!p0 [hbm:s6], $0xF7A  }
0x23: {  	s9 =	sor.u32 $0xD0000000, s2;
	s6 =	simm.s32 $0x108;
	_ =	swait.ge @!p0 [sflag:s8], $0x0  }
0x24: {  	s3 =	sadd.s32 $0x88, s3;
	s6 =	simm.s32 @!p1 $0x1082;
	[sflag:s4] =	ssyncset.s32 $0xFFFFF086  }
0x25: {  	[simem:s6], [sflag:s4] =	dma.local [hbm:s3], $0xF7A  }
0x26: {  	[smem:$0x3F96] =	sst s1;
	(tag) =	ssettag s2;
	_ =	strace s9  }
0x27: {  	s1 =	sld [smem:$0x3FA6]  }
0x28: {  	s2 =	sld [smem:$0x3FA7]  }
0x29: {  	s4 =	sld [smem:$0x3FA9]  }
0x2a: {  	p0 =	seq.s32 s5, $0x0;
	s5 =	sld [smem:$0x3FAA]  }
0x2b: {  	s6 =	sld [smem:$0x3FAB]  }
0x2c: {  	s7 =	sld [smem:$0x3FAC]  }
0x2d: {  	s3 =	simm.s32 $0x108;
	s8 =	sld [smem:$0x3FAD]  }
0x2e: {  	s3 =	simm.s32 @!p0 $0x1082;
	s9 =	sld [smem:$0x3FAE]  }
0x2f: {  	lr =	sadd.s32 s0, s3;
	s0 =	sld [smem:$0x3FA5]  }
0x30: {  	s3 =	sld [smem:$0x3FA8]  }
0x31: {  	[smem:$0x3FB1] =	sst s10  }
0x32: {  	s10 =	sld [smem:$0x3FAF];
	_ =	sdelay $0x3  }
0x33: {  	p0 =	seq.s32 s10, $0x1;
	s10 =	sld [smem:$0x3FB1];
	_ =	sdelay $0x3  }
0x34: {  	[smem:$0x3FB1] =	sst s10  }
0x35: {  	s10 =	sld [smem:$0x3FB0];
	_ =	sdelay $0x3  }
0x36: {  	p1 =	seq.s32 s10, $0x1;
	s10 =	sld [smem:$0x3FB1];
	_ =	sdelay $0x3  }
0x37: {  	[smem:$0x3FB1] =	sst s10  }
0x38: {  	s10 =	sld [smem:$0x3FB2]  }
0x39: {  	_ = 	snop;
	(pc) =	sbr.ind lr, $3  }
0x3a: {  	_ = 	snop  }
0x3b: {  	_ = 	snop  }
0x3c: {  	p2 =	seq.s32 s10, $0x1;
	s10 =	sld [smem:$0x3FB1]  }
0x3d: {  	_ =	shalt  }
0x3e: {  	_ =	shalt  }
0x3f: {  	_ =	shalt  }
0x40: {  	_ =	shalt  }
0x41: {  	_ =	shalt  }
0x42: {  	_ =	shalt  }
0x43: {  	_ =	shalt  }
0x44: {  	_ =	shalt  }
0x45: {  	_ =	shalt  }
0x46: {  	_ =	shalt  }
0x47: {  	_ =	shalt  }
0x48: {  	_ =	shalt  }
0x49: {  	_ =	shalt  }
0x4a: {  	_ =	shalt  }
0x4b: {  	_ =	shalt  }
0x4c: {  	_ =	shalt  }
0x4d: {  	_ =	shalt  }
0x4e: {  	_ =	shalt  }
0x4f: {  	_ =	shalt  }
0x50: {  	_ =	shalt  }
0x51: {  	_ =	shalt  }
0x52: {  	_ =	shalt  }
0x53: {  	_ =	shalt  }
0x54: {  	_ =	shalt  }
0x55: {  	_ =	shalt  }
0x56: {  	_ =	shalt  }
0x57: {  	_ =	shalt  }
0x58: {  	_ =	shalt  }
0x59: {  	_ =	shalt  }
0x5a: {  	_ =	shalt  }
0x5b: {  	_ =	shalt  }
0x5c: {  	_ =	shalt  }
0x5d: {  	_ =	shalt  }
0x5e: {  	_ =	shalt  }
0x5f: {  	_ =	shalt  }
0x60: {  	_ =	shalt  }
0x61: {  	_ =	shalt  }
0x62: {  	_ =	shalt  }
0x63: {  	_ =	shalt  }
0x64: {  	_ =	shalt  }
0x65: {  	_ =	shalt  }
0x66: {  	_ =	shalt  }
0x67: {  	_ =	shalt  }
0x68: {  	_ =	shalt  }
0x69: {  	_ =	shalt  }
0x6a: {  	_ =	shalt  }
0x6b: {  	_ =	shalt  }
0x6c: {  	_ =	shalt  }
0x6d: {  	_ =	shalt  }
0x6e: {  	_ =	shalt  }
0x6f: {  	_ =	shalt  }
0x70: {  	_ =	shalt  }
0x71: {  	_ =	shalt  }
0x72: {  	_ =	shalt  }
0x73: {  	_ =	shalt  }
0x74: {  	_ =	shalt  }
0x75: {  	_ =	shalt  }
0x76: {  	_ =	shalt  }
0x77: {  	_ =	shalt  }
0x78: {  	_ =	shalt  }
0x79: {  	_ =	shalt  }
0x7a: {  	_ =	shalt  }
0x7b: {  	_ =	shalt  }
0x7c: {  	_ =	shalt  }
0x7d: {  	_ =	shalt  }
0x7e: {  	_ =	shalt  }
0x7f: {  	_ =	shalt  }
0x80: {  	_ =	shalt  }
0x81: {  	_ =	shalt  }
0x82: {  	_ =	shalt  }
0x83: {  	_ =	shalt  }
0x84: {  	_ =	shalt  }
0x85: {  	_ =	shalt  }
0x86: {  	_ =	shalt  }
0x87: {  	_ =	shalt  }
.Lfunc_end0:
.L_simem_size_0:
called_computation.3_lowered:
.L_overlay_start_0:
0x88: {  	s2 =	sld [smem:$0x3FD9]  }
0x89: {  	s3 =	sld [smem:$0x3FFE];
	_ =	sdelay $0x1  }
0x8a: {  	s1 =	srdreg.scid  }
0x8b: {  	s0 =	sand.u32 $0x1, s1  }
0x8c: {  	s16 =	sshll.u32 s0, $0xA;
	s2 =	sadd.s32 s3, s2  }
0x8d: {  	s2 =	sadd.s32 s2, s16  }
0x8e: {  	[smem:$0x3FBD] =	sst s2  }
0x8f: {  	_ = 	snop  }
0x90: {  	(tm) =	ssettm $0x1  }
0x91: {  	s17 =	sld [smem:$0x3FFB];
	_ =	sdelay $0x3  }
0x92: {  	_ =	strace s17  }
0x93: {  	s2 =	sld [smem:$0x3FFC];
	_ =	sdelay $0x3  }
0x94: {  	_ =	strace s2  }
0x95: {  	s2 =	sld [smem:$0x3FFD];
	_ =	sdelay $0x3  }
0x96: {  	_ =	strace s2  }
0x97: {  	_ =	strace $0x8FFFFFFF  }
0x98: {  	s18 =	sld [smem:$0x3FDB];
	_ =	sdelay $0x1  }
0x99: {  	s19 =	simm.s32 $_scs_section_size  }
0x9a: {  	s4 =	simm.s32 $_size__tile_overlayer_lowered;
	s5 =	simm.s32 $_tile_overlayer_lowered  }
0x9b: {  	s22 =	simm.s32 $0x1BFF;
	s21 =	sshll.u32 s5, $0x1;
	s2 =	sadd.s32 s19, s18  }
0x9c: {  	s6 =	simm.s32 $0x0;
	s20 =	sshll.u32 s4, $0x1;
	s4 =	sadd.s32 s21, s2  }
0x9d: {  	[timem:s6], [sflag:s22] =	dma.local [hbm:s4], s20  }
0x9e: {  	_ =	swait.ge [sflag:s22], s20  }
0x9f: {  	s3 =	ssub.s32 $0x0, s20;
	[sflag:s22] =	ssyncset.done $0x0  }
0xa0: {  	[sflag:s22] =	ssyncadd.s32 s3;
	_ =	sdelay $0x1  }
0xa1: {  	s23 =	simm.s32 $0x1B8B  }
0xa2: {  	_ =	swait.ge [sflag:s23], $0x1  }
0xa3: {  	[sflag:s23] =	ssyncset.done $0x0  }
0xa4: {  	s25 =	simm.s32 $0x1B8E;
	s24 =	sld [smem:$0x3FFE];
	[sflag:s23] =	ssyncadd.s32 $0xFFFFFFFF  }
0xa5: {  	s26 =	simm.s32 $execute0_lowered;
	[smem:$0x3FD2] =	sst s25  }
0xa6: {  	s4 =	sshll.u32 s26, $0x1;
	_ =	strace $0x8000004F;
	[dreg:$0x1] =	wrdreg $0xFFFFFFFF  }
0xa7: {  	s28 =	simm.s32 $_size_execute0_lowered;
	s2 =	sadd.s32 s2, s4;
	[dreg:$0x0] =	wrdreg $0x0  }
0xa8: {  	s4 =	sshll.u32 s28, $0x1;
	[dreg:$0x2] =	wrdreg s2  }
0xa9: {  	[dreg:$0x3] =	wrdreg s4  }
0xaa: {  	[dreg:$0x4] =	wrdreg $0xC0  }
0xab: {  	_ =	task [dreg:s6], $0x5FFFF  }
0xac: {  	[dreg:$0x1] =	wrdreg $0xFFFFFFFF  }
0xad: {  	[dreg:$0x0] =	wrdreg $0x60  }
0xae: {  	[dreg:$0x2] =	wrdreg s24  }
0xaf: {  	[dreg:$0x3] =	wrdreg $0xFE600  }
0xb0: {  	[dreg:$0x4] =	wrdreg $0x9  }
0xb1: {  	_ =	task.clear_ibuf [dreg:s6], $0x5FFFF;
	_ =	strace $0x9000004F  }
0xb2: {  	s29 =	simm.s32 $0x9;
	_ =	strace $0x80000051  }
0xb3: {  	_ =	swait.ge [sflag:s29], $0x1  }
0xb4: {  	[sflag:s29] =	ssyncadd.s32 $0xFFFFFFFF  }
0xb5: {  	_ =	strace $0x90000051  }
0xb6: {  	_ =	sfence  }
0xb7: {  	s30 =	sld [smem:$0x0];
	_ =	sdelay $0x2  }
0xb8: {  	s31 =	sshll.u32 s1, $0xD;
	s1 =	sshrl.u32 s1, $0x2  }
0xb9: {  	s3 =	sand.u32 $0x4000, s31;
	s1 =	sadd.s32 s1, s30  }
0xba: {  	s0 =	sor.u32 s3, s0;
	s1 =	sshll.u32 s1, $0x11  }
0xbb: {  	s0 =	sor.u32 s1, s0  }
0xbc: {  	s0 =	sadd.s32 $0x8F2B, s0  }
0xbd: {  	[sflag:s0] =	ssyncadd.remote.s32 $0x1  }
0xbe: {  	_ =	sfence.sel $0xFFFF  }
0xbf: {  	[dreg:$0x0] =	wrdreg $0xFFFFFFFF;
	(pc) =	sbr.abs _section_cstart, $3  }
0xc0: {  	[dreg:$0x1] =	wrdreg $0xFFFFFFFF  }
0xc1: {  	_ =	task.clear_ibuf [dreg:s6], $0x2FFFF;
	_ =	strace $0x9FFFFFFF  }
0xc2: {  	(tm) =	ssettm $0x7FFFFFFF  }
0xc3: {  	_ =	shalt  }
tec
execute0_lowered:
.L_overlay_start_1:
0x0: {  	(tag) =	ssettag $0x1  }
0x1: {  	s5 =	rddreg [dreg:$0x0]  }
0x2: {  	s2 =	rddreg [dreg:$0x1]  }
0x3: {  	s0 =	rddreg [dreg:$0x2];
	s4 =	srdreg.scid  }
0x4: {  	s1 =	stileid.u32;
	s3 =	simm.s32 $0x0;
	s11 =	simm.s32 $0x2  }
0x5: {  	s12 =	simm.s32 $0x2710;
	s13 =	simm.s32 $0x50;
	s14 =	simm.s32 $0x4E20  }
0x6: {  	s15 =	simm.s32 $0x1;
	s16 =	simm.s32 $0x0;
	s4 =	sand.u32 $0x1, s4  }
0x7: {  	s6 =	smul.u32 $0x9C40, s1;
	[smem:$0x7FF] =	sst s3;
	s7 =	sshll.u32 s4, $0x4  }
0x8: {  	s8 =	smul.u32 $0x9C400, s4;
	_ =	strace $0x80000050;
	s9 =	ssub.s32 $0x2, s4  }
0x9: {  	s4 =	sadd.s32 $0x2A00, s5;
	s7 =	sor.u32 s1, s7;
	s10 =	sshrl.u32 s9, $0x1  }
0xa: {  	s7 =	smul.u32 $0x4E2, s7;
	s8 =	sadd.s32 s6, s8;
	s9 =	ssub.s32 s9, s10  }
0xb: {  	s10 =	simm.s32 $0x6220;
	s8 =	sshrl.u32 s8, $0x3;
	s9 =	smax.u32 s9, $0x1  }
0xc: {  	s7 =	sadd.s32 s7, s5;
	s8 =	sadd.s32 s8, s5;
	s5 =	sadd.s32 s6, s2  }
0xd: {  	v0 =	vimm.f32 $0.0e+00;
	s6 =	sadd.s32 $0x20200, s7;
	s7 =	sadd.s32 $0x16400, s7;
	s8 =	sadd.s32 $0x2A000, s8  }
.LBB2_1:
0xe: {  	s18 =	simm.s32 $0x100;
	s17 =	simm.s32 $0x0  }
.LBB2_2:
0xf: {  	p0 =	sne.s32 s18, $0x27000;
	[tilespmem:s17+$0x6250] =	vst v0;
	s19 =	smov.u32 s18;
	s18 =	sadd.s32 $0x100, s18  }
.Ltmp0:
0x10: {  	[tilespmem:s17+$0x6240] =	vst v0;
	(pc) =	sbr.rel @p0 .LBB2_2-.Ltmp0, $3  }
0x11: {  	[tilespmem:s17+$0x6220] =	vst v0  }
0x12: {  	[tilespmem:s17+$0x6230] =	vst v0;
	_ =	sdelay $0x1  }
0x13: {  	s17 =	sshra.s32 s19, $0x2  }
0x14: {  	[tilespmem:s17+$0x6250] =	vst v0  }
0x15: {  	[tilespmem:s17+$0x6240] =	vst v0  }
0x16: {  	[tilespmem:s17+$0x6220] =	vst v0  }
0x17: {  	[tilespmem:s17+$0x6230] =	vst v0  }
0x18: {  	[spmem:s5] =	stream.linear.scatter [tilespmem:s10], [sflag:$0x2], $0x9C40, $0x38;
	[tilespmem:$0x19AA0] =	vst v63  }
0x19: {  	_ =	swait.ge [sflag:s11], $0x9C40  }
0x1a: {  	[sflag:s11] =	ssyncset.done $0x0  }
0x1b: {  	s29 =	simm.s32 $0x0;
	[sflag:s11] =	ssyncadd.s32 $0xFFFF63C0  }
0x1c: {  	[tilespmem:s29], [sflag:$0x2] =	stream.linear.gather [hbm4b:s6+s29], $0x2710, $0x38;
	[tilespmem:$0x19AA0] =	vst v63  }
0x1d: {  	_ =	swait.ge [sflag:s11], $0x2710  }
0x1e: {  	[sflag:s11] =	ssyncset.done $0x0  }
0x1f: {  	[sflag:s11] =	ssyncadd.s32 $0xFFFFD8F0  }
0x20: {  	[tilespmem:s12], [sflag:$0x2] =	stream.linear.gather [hbm4b:s7+s29], $0x2710, $0x38;
	[tilespmem:$0x19AA0] =	vst v63  }
0x21: {  	_ =	swait.ge [sflag:s11], $0x2710  }
0x22: {  	[sflag:s11] =	ssyncset.done $0x0  }
0x23: {  	[sflag:s11] =	ssyncadd.s32 $0xFFFFD8F0  }
0x24: {  	s30 =	simm.s32 $0x0;
	[bflag:$0x0] =	sbarrier.arrive $0xFFFF  }
0x25: {  	[tilespmem:s14], [sflag:$0x1] =	stream.indirect.gather [hbm4b:s4+s13], $0x40, s30, s13, $0xb8;
	[tilespmem:$0x19AA0] =	vst v63  }
0x26: {  	_ =	swait.ge [sflag:s15], $0x1400  }
0x27: {  	[sflag:s15] =	ssyncset.done $0x0  }
0x28: {  	s31 =	simm.s32 $0x2710;
	[sflag:s15] =	ssyncadd.s32 $0xFFFFEC00  }
0x29: {  	[spmem:s2] =	stream.indirect.scatter.add.f32 [tilespmem:s14], [sflag:$0x2], $0x40, s31, s13, $0xb8;
	[tilespmem:$0x19AA0] =	vst v63  }
0x2a: {  	_ =	swait.ge [sflag:s11], $0x1400  }
0x2b: {  	s17 =	simm.s32 $0x140;
	s18 =	simm.s32 $0x280;
	[sflag:s11] =	ssyncset.done $0x0  }
.LBB2_4:
0x2c: {  	s19 =	sshra.s32 s17, $0x2  }
0x2d: {  	[sflag:s11] =	ssyncadd.s32 $0xFFFFEC00;
	s17 =	smov.u32 s18;
	s20 =	sadd.s32 $0x140, s18  }
0x2e: {  	[tilespmem:s14], [sflag:$0x1] =	stream.indirect.gather [hbm4b:s4+s13], $0x40, s19, s13, $0xb8;
	[tilespmem:$0x19AA0] =	vst v63  }
0x2f: {  	p0 =	sne.s32 s18, $0x9B00;
	_ =	swait.ge [sflag:s15], $0x1400  }
.Ltmp1:
0x30: {  	[sflag:s15] =	ssyncset.done $0x0;
	(pc) =	sbr.rel @p0 .LBB2_4-.Ltmp1, $4  }
0x31: {  	s18 =	sadd.s32 $0x2710, s19;
	[sflag:s15] =	ssyncadd.s32 $0xFFFFEC00  }
0x32: {  	[spmem:s2] =	stream.indirect.scatter.add.f32 [tilespmem:s14], [sflag:$0x2], $0x40, s18, s13, $0xb8;
	[tilespmem:$0x19AA0] =	vst v63  }
0x33: {  	_ =	swait.ge [sflag:s11], $0x1400  }
0x34: {  	s18 =	smov.u32 s20;
	[sflag:s11] =	ssyncset.done $0x0  }
0x35: {  	s17 =	sshra.s32 s17, $0x2;
	[sflag:s11] =	ssyncadd.s32 $0xFFFFEC00  }
0x36: {  	[tilespmem:s14], [sflag:$0x1] =	stream.indirect.gather [hbm4b:s4+s13], $0x40, s17, s13, $0xb8;
	[tilespmem:$0x19AA0] =	vst v63  }
0x37: {  	_ =	swait.ge [sflag:s15], $0x1400  }
0x38: {  	[sflag:s15] =	ssyncset.done $0x0  }
0x39: {  	s17 =	sadd.s32 $0x2710, s17;
	[sflag:s15] =	ssyncadd.s32 $0xFFFFEC00  }
0x3a: {  	[spmem:s2] =	stream.indirect.scatter.add.f32 [tilespmem:s14], [sflag:$0x2], $0x40, s17, s13, $0xb8;
	[tilespmem:$0x19AA0] =	vst v63  }
0x3b: {  	_ =	swait.ge [sflag:s11], $0x1400  }
0x3c: {  	[sflag:s11] =	ssyncset.done $0x0  }
0x3d: {  	[sflag:s11] =	ssyncadd.s32 $0xFFFFEC00  }
0x3e: {  	[bflag:$0x0] =	sbarrier.arrive $0xFFFF  }
0x3f: {  	[tilespmem:s10], [sflag:$0x2] =	stream.linear.gather [spmem:s5], $0x9C40, $0x38;
	[tilespmem:$0x19AA0] =	vst v63  }
0x40: {  	s16 =	sadd.s32 $0x1, s16;
	_ =	swait.ge [sflag:s11], $0x9C40  }
0x41: {  	p0 =	sne.s32 s16, s9;
	[sflag:s11] =	ssyncset.done $0x0  }
.Ltmp2:
0x42: {  	[sflag:s11] =	ssyncadd.s32 $0xFFFF63C0;
	(pc) =	sbr.rel @p0 .LBB2_1-.Ltmp2, $4  }
0x43: {  	[hbm4b:s8+s3] =	stream.linear.scatter [tilespmem:s10], [sflag:$0x2], $0x9C40, $0x38;
	[tilespmem:$0x19AA0] =	vst v63  }
0x44: {  	_ =	swait.ge [sflag:s11], $0x9C40  }
0x45: {  	[sflag:s11] =	ssyncset.done $0x0  }
0x46: {  	[sflag:s11] =	ssyncadd.s32 $0xFFFF63C0  }
0x47: {  	_ =	sfence.sel $0x180000  }
0x48: {  	[bflag:$0x0] =	sbarrier.arrive $0xFFFF  }
0x49: {  	p0 =	sne.s32 s1, $0x0;
	_ =	strace $0x90000050  }
0x4a: {  	s0 =	sadd.s32 @!p0 $0x100000, s0;
	[bflag:$0x2] =	sbarrier.arrive $0xFFFF  }
0x4b: {  	[sflag:s0] =	ssyncadd.tile.s32 @!p0 $0x1;
	_ =	shalt  }
.Lfunc_end2:
_tile_overlayer_lowered:
.L_overlay_start_2:
0x4c: {  	(tag) =	ssettag $0x2  }
0x4d: {  	s0 =	rddreg [dreg:$0x0];
	s2 =	stileid.u32  }
0x4e: {  	s1 =	rddreg [dreg:$0x1];
	p0 =	sne.s32 s2, $0x0  }
0x4f: {  	s3 =	rddreg [dreg:$0x2];
	[bflag:$0x3] =	sbarrier.arrive $0xFFFF;
	s2 =	simm.s32 @!p0 $0x1C02  }
0x50: {  	[timem:s3], [sflag:s2] =	dma.local @!p0 [hbm:s0], s1  }
0x51: {  	s0 =	simm.s32 @!p0 $0x2  }
0x52: {  	_ =	swait.ge @!p0 [sflag:s0], s1  }
0x53: {  	s1 =	ssub.s32 @!p0 $0x0, s1;
	[sflag:s0] =	ssyncset.done @!p0 $0x0  }
0x54: {  	[sflag:s0] =	ssyncadd.s32 @!p0 s1  }
0x55: {  	[bflag:$0x3] =	sbarrier.arrive $0xFFFF  }
0x56: {  	_ =	shalt  }

</sc_bundles>
